<compile_context>
chip_gen: v7x
topology: tpu7x:2x2x1
jax: 0.10.2.dev20260603
libtpu: 0.0.44.dev20260713+nightly
codegen_flags: <defaults>
</compile_context>

<pallas_src>
import dataclasses
import functools

import jax
import jax.numpy as jnp
from jax import lax
from jax.experimental import pallas as pl
from jax.experimental.pallas import tpu as pltpu
from jax.experimental.pallas import tpu_sc as plsc

N_HID = 128
N_NODES = 10000
N_EDGES = 320000

NC = 2
NS = 16
NW = NC * NS
EPW = N_EDGES // NW
CB = 40
PB = 2 * CB
NPAIR = EPW // PB
NPAD = 10240
NPT = NPAD // NS

_MESH = plsc.VectorSubcoreMesh(core_axis_name="c", subcore_axis_name="s")
_CP = pltpu.CompilerParams()
if "needs_layout_passes" in pltpu.CompilerParams.__dataclass_fields__:
    _CP = dataclasses.replace(_CP, needs_layout_passes=False)



def _proj_body(x_ref, wb_ref, wc_ref, xb_ref, xc_ref):
    x = x_ref[...]
    xb_ref[...] = jnp.dot(x, wb_ref[...], preferred_element_type=jnp.float32)
    xc_ref[...] = jnp.dot(x, wc_ref[...], preferred_element_type=jnp.float32)


def _project(x, wb, wc):
    blk = 2000
    return pl.pallas_call(
        _proj_body,
        grid=(N_NODES // blk,),
        in_specs=[
            pl.BlockSpec((blk, N_HID), lambda i: (i, 0)),
            pl.BlockSpec((N_HID, N_HID), lambda i: (0, 0)),
            pl.BlockSpec((N_HID, N_HID), lambda i: (0, 0)),
        ],
        out_specs=[
            pl.BlockSpec((blk, N_HID), lambda i: (i, 0)),
            pl.BlockSpec((blk, N_HID), lambda i: (i, 0)),
        ],
        out_shape=[jax.ShapeDtypeStruct((N_NODES, N_HID), jnp.float32)] * 2,
    )(x, wb, wc)



@functools.partial(
    pl.kernel,
    out_type=[
        jax.ShapeDtypeStruct((N_EDGES, N_HID), jnp.float32),
        jax.ShapeDtypeStruct((N_EDGES, N_HID), jnp.float32),
        jax.ShapeDtypeStruct((NW * NPAD,), jnp.float32),
    ],
    mesh=_MESH,
    compiler_params=_CP,
    scratch_types=[
        pltpu.VMEM((1, PB), jnp.int32),
        pltpu.VMEM((1, PB), jnp.int32),
        pltpu.VMEM((CB, N_HID), jnp.float32),
        pltpu.VMEM((CB, N_HID), jnp.float32),
        pltpu.VMEM((CB, N_HID), jnp.float32),
        pltpu.VMEM((CB, N_HID), jnp.float32),
        pltpu.VMEM((NPAD,), jnp.float32),
        pltpu.SemaphoreType.DMA,
        pltpu.SemaphoreType.DMA,
        pltpu.SemaphoreType.DMA,
        pltpu.SemaphoreType.DMA,
        pltpu.SemaphoreType.DMA,
        pltpu.SemaphoreType.DMA,
        pltpu.SemaphoreType.DMA,
        pltpu.SemaphoreType.DMA,
        pltpu.SemaphoreType.DMA,
        pltpu.SemaphoreType.DMA,
    ],
)
def _gather_kernel(xb_hbm, xc_hbm, idxs_hbm, idxr_hbm,
                   xbg_hbm, xcg_hbm, cnt_hbm,
                   is_v, ir_v, ba0, ba1, bb0, bb1, cnt_v,
                   sis, sir, ga0, ga1, gb0, gb1, wa0, wa1, wb0, wb1):
    c = lax.axis_index("c")
    s = lax.axis_index("s")
    w = c * NS + s
    zero16 = jnp.zeros((16,), jnp.float32)
    one16 = zero16 + 1.0

    @pl.loop(0, NPAD, step=16)
    def _(i):
        cnt_v[pl.ds(i, 16)] = zero16

    base = w * EPW

    @pl.loop(0, NPAIR)
    def _(p):
        o = base + p * PB
        gp = w * NPAIR + p
        h_is = pltpu.async_copy(idxs_hbm.at[gp], is_v, sis)
        h_ir = pltpu.async_copy(idxr_hbm.at[gp], ir_v, sir)
        h_is.wait()
        h_ga0 = pltpu.async_copy(xb_hbm.at[is_v.at[0, pl.ds(0, CB)]], ba0, ga0)
        h_ga1 = pltpu.async_copy(xb_hbm.at[is_v.at[0, pl.ds(CB, CB)]], ba1, ga1)
        h_ir.wait()
        h_gb0 = pltpu.async_copy(xc_hbm.at[ir_v.at[0, pl.ds(0, CB)]], bb0, gb0)
        h_gb1 = pltpu.async_copy(xc_hbm.at[ir_v.at[0, pl.ds(CB, CB)]], bb1, gb1)

        @pl.loop(0, PB, step=16)
        def _(j):
            idx16 = ir_v[0, pl.ds(j, 16)]
            plsc.addupdate_scatter(cnt_v, [idx16], one16)

        h_ga0.wait()
        h_wa0 = pltpu.async_copy(ba0, xbg_hbm.at[pl.ds(o, CB)], wa0)
        h_ga1.wait()
        h_wa1 = pltpu.async_copy(ba1, xbg_hbm.at[pl.ds(o + CB, CB)], wa1)
        h_gb0.wait()
        h_wb0 = pltpu.async_copy(bb0, xcg_hbm.at[pl.ds(o, CB)], wb0)
        h_gb1.wait()
        h_wb1 = pltpu.async_copy(bb1, xcg_hbm.at[pl.ds(o + CB, CB)], wb1)
        h_wa0.wait()
        h_wa1.wait()
        h_wb0.wait()
        h_wb1.wait()

    pltpu.sync_copy(cnt_v, cnt_hbm.at[pl.ds(w * NPAD, NPAD)])



def _edge_body(ea_ref, gb_ref, gc_ref, w1_ref, w2_ref, b1_ref, g_ref, b_ref,
               nea_ref, eu_ref):
    ea = ea_ref[...]
    h = jnp.dot(ea, w1_ref[...], preferred_element_type=jnp.float32)
    h = h + gb_ref[...] + gc_ref[...] + b1_ref[...]
    h = h * jax.nn.sigmoid(h)
    h = jnp.dot(h, w2_ref[...], preferred_element_type=jnp.float32)
    mu = jnp.mean(h, axis=-1, keepdims=True)
    d = h - mu
    var = jnp.mean(d * d, axis=-1, keepdims=True)
    eu = (d * lax.rsqrt(var + 1e-5)) * g_ref[...] + b_ref[...]
    eu_ref[...] = eu
    nea_ref[...] = ea + eu


def _edge(ea, gb, gc, w1a, w2, b1, g, b):
    blk = 2000
    row = lambda i: (i, 0)
    full = lambda i: (0, 0)
    return pl.pallas_call(
        _edge_body,
        grid=(N_EDGES // blk,),
        in_specs=[
            pl.BlockSpec((blk, N_HID), row),
            pl.BlockSpec((blk, N_HID), row),
            pl.BlockSpec((blk, N_HID), row),
            pl.BlockSpec((N_HID, N_HID), full),
            pl.BlockSpec((N_HID, N_HID), full),
            pl.BlockSpec((1, N_HID), full),
            pl.BlockSpec((1, N_HID), full),
            pl.BlockSpec((1, N_HID), full),
        ],
        out_specs=[
            pl.BlockSpec((blk, N_HID), row),
            pl.BlockSpec((blk, N_HID), row),
        ],
        out_shape=[jax.ShapeDtypeStruct((N_EDGES, N_HID), jnp.float32)] * 2,
    )(ea, gb, gc, w1a, w2, b1, g, b)



@functools.partial(
    pl.kernel,
    out_type=jax.ShapeDtypeStruct((NC, NPAD, N_HID), jnp.float32),
    mesh=_MESH,
    scratch_types=[
        pltpu.VMEM((CB, N_HID), jnp.float32),
        pltpu.VMEM((CB, N_HID), jnp.float32),
        pltpu.VMEM((1, CB), jnp.int32),
        pltpu.VMEM((1, CB), jnp.int32),
        pltpu.SemaphoreType.DMA,
        pltpu.SemaphoreType.DMA,
        pltpu.SemaphoreType.DMA,
        pltpu.SemaphoreType.DMA,
        pltpu.VMEM_SHARED((NPAD, N_HID), jnp.float32),
    ],
)
def _scatter_kernel(eu_hbm, idxr_hbm, sums_hbm,
                    e0, e1, i0, i1, se0, se1, si0, si1, sums_sh):
    c = lax.axis_index("c")
    s = lax.axis_index("s")
    w = c * NS + s
    zero16 = jnp.zeros((16,), jnp.float32)

    @pl.loop(0, CB)
    def _(i):
        @pl.loop(0, N_HID, step=16)
        def _(j):
            e0[i, pl.ds(j, 16)] = zero16

    @pl.loop(0, NPT, step=CB)
    def _(r):
        pltpu.sync_copy(e0, sums_sh.at[pl.ds(s * NPT + r, CB)])
    plsc.subcore_barrier()

    base = w * EPW

    @pl.loop(0, NPAIR)
    def _(p):
        o = base + p * PB
        cc2 = (w * EPW) // CB + p * 2
        h_i0 = pltpu.async_copy(idxr_hbm.at[cc2], i0, si0)
        h_e0 = pltpu.async_copy(eu_hbm.at[pl.ds(o, CB)], e0, se0)
        h_i1 = pltpu.async_copy(idxr_hbm.at[cc2 + 1], i1, si1)
        h_e1 = pltpu.async_copy(eu_hbm.at[pl.ds(o + CB, CB)], e1, se1)
        h_i0.wait()
        h_e0.wait()
        pltpu.sync_copy(e0, sums_sh.at[i0.at[0]], add=True)
        h_i1.wait()
        h_e1.wait()
        pltpu.sync_copy(e1, sums_sh.at[i1.at[0]], add=True)

    plsc.subcore_barrier()

    @pl.loop(0, NPT, step=CB)
    def _(r):
        pltpu.sync_copy(sums_sh.at[pl.ds(s * NPT + r, CB)], e0)
        pltpu.sync_copy(e0, sums_hbm.at[c, pl.ds(s * NPT + r, CB)])



def _node_body(x_ref, sums_ref, cnt_ref, w1x_ref, w1c_ref,
               b1_ref, w2_ref, g_ref, b_ref, nx_ref):
    x = x_ref[...]
    ssum = sums_ref[0] + sums_ref[1]
    cnt = jnp.maximum(jnp.sum(cnt_ref[...], axis=1)[:, None], 1.0)
    coll = ssum / cnt
    h = jnp.dot(x, w1x_ref[...], preferred_element_type=jnp.float32)
    h = h + jnp.dot(coll, w1c_ref[...], preferred_element_type=jnp.float32)
    h = h + b1_ref[...]
    h = h * jax.nn.sigmoid(h)
    h = jnp.dot(h, w2_ref[...], preferred_element_type=jnp.float32)
    mu = jnp.mean(h, axis=-1, keepdims=True)
    d = h - mu
    var = jnp.mean(d * d, axis=-1, keepdims=True)
    nx_ref[...] = x + (d * lax.rsqrt(var + 1e-5)) * g_ref[...] + b_ref[...]


def _node(x, sums, cnt, w1x, w1c, b1, w2, g, b):
    blk = 2000
    row = lambda i: (i, 0)
    full = lambda i: (0, 0)
    return pl.pallas_call(
        _node_body,
        grid=(N_NODES // blk,),
        in_specs=[
            pl.BlockSpec((blk, N_HID), row),
            pl.BlockSpec((NC, blk, N_HID), lambda i: (0, i, 0)),
            pl.BlockSpec((blk, NW), lambda i: (i, 0)),
            pl.BlockSpec((N_HID, N_HID), full),
            pl.BlockSpec((N_HID, N_HID), full),
            pl.BlockSpec((1, N_HID), full),
            pl.BlockSpec((N_HID, N_HID), full),
            pl.BlockSpec((1, N_HID), full),
            pl.BlockSpec((1, N_HID), full),
        ],
        out_specs=pl.BlockSpec((blk, N_HID), row),
        out_shape=jax.ShapeDtypeStruct((N_NODES, N_HID), jnp.float32),
    )(x, sums, cnt, w1x, w1c, b1, w2, g, b)



def kernel(edge_attr, idx_sender, idx_receiver, x_sender,
           eW1, eb1, eW2, eg, eb, rW1, rb1, rW2, rg, rb):
    ea = edge_attr.reshape(N_EDGES, N_HID)
    x = x_sender.reshape(N_NODES, N_HID)
    idx_s2 = idx_sender.astype(jnp.int32).reshape(N_EDGES // PB, 1, PB)
    idx_r2 = idx_receiver.astype(jnp.int32).reshape(N_EDGES // PB, 1, PB)
    idx_r3 = idx_receiver.astype(jnp.int32).reshape(N_EDGES // CB, 1, CB)

    w1a = eW1[:N_HID]
    xb, xc = _project(x, eW1[N_HID:2 * N_HID], eW1[2 * N_HID:])
    xbg, xcg, cnt = _gather_kernel(xb, xc, idx_s2, idx_r2)
    nea, eu = _edge(ea, xbg, xcg, w1a, eW2,
                    eb1.reshape(1, -1), eg.reshape(1, -1), eb.reshape(1, -1))
    sums = _scatter_kernel(eu, idx_r3)
    nx = _node(x, sums, cnt.reshape(NW, NPAD).T, rW1[:N_HID], rW1[N_HID:],
               rb1.reshape(1, -1), rW2, rg.reshape(1, -1), rb.reshape(1, -1))
    return (nx.reshape(1, N_NODES, N_HID), nea.reshape(1, N_EDGES, N_HID))

# --- scband reference (transcript-rebuilt; emitter-appended) ---
"""Pipeline reference for scband-message-passing-21775484191249 (READ-ONLY COPY).

The authoritative reference and input builder live on the scoring server;
editing this copy changes nothing except your own understanding.
"""

import jax, jax.numpy as jnp
import numpy as np

N_HID = 128
N_NODES = 10000
N_EDGES = 320000

def _mlp(x, W1, b1, W2, g, b):
    h = x @ W1 + b1
    h = jax.nn.silu(h)
    h = h @ W2  # no bias (layer_norm=True)
    mu = jnp.mean(h, axis=-1, keepdims=True)
    var = jnp.var(h, axis=-1, keepdims=True)
    hn = (h - mu) / jnp.sqrt(var + 1e-5)
    return hn * g + b

def setup_inputs(seed: int = 0) -> dict:
    key = jax.random.key(seed)
    ks = jax.random.split(key, 10)
    edge_attr = jax.random.normal(ks[0], (1, N_EDGES, N_HID), dtype=jnp.float32)
    idx_sender = jax.random.randint(ks[1], (N_EDGES,), 0, N_NODES)
    idx_receiver = jax.random.randint(ks[2], (N_EDGES,), 0, N_NODES)
    x_sender = jax.random.normal(ks[3], (1, N_NODES, N_HID), dtype=jnp.float32)
    eW1 = jax.random.normal(ks[4], (3 * N_HID, N_HID), dtype=jnp.float32) * 0.05
    eb1 = jnp.zeros((N_HID,), dtype=jnp.float32)
    eW2 = jax.random.normal(ks[5], (N_HID, N_HID), dtype=jnp.float32) * 0.05
    eg = jnp.ones((N_HID,), dtype=jnp.float32)
    eb = jnp.zeros((N_HID,), dtype=jnp.float32)
    rW1 = jax.random.normal(ks[6], (2 * N_HID, N_HID), dtype=jnp.float32) * 0.05
    rb1 = jnp.zeros((N_HID,), dtype=jnp.float32)
    rW2 = jax.random.normal(ks[7], (N_HID, N_HID), dtype=jnp.float32) * 0.05
    rg = jnp.ones((N_HID,), dtype=jnp.float32)
    rb = jnp.zeros((N_HID,), dtype=jnp.float32)
    return {"edge_attr": edge_attr, "idx_sender": idx_sender, "idx_receiver": idx_receiver,
            "x_sender": x_sender, "eW1": eW1, "eb1": eb1, "eW2": eW2, "eg": eg, "eb": eb,
            "rW1": rW1, "rb1": rb1, "rW2": rW2, "rg": rg, "rb": rb}

def reference(edge_attr, idx_sender, idx_receiver, x_sender, eW1, eb1, eW2, eg, eb, rW1, rb1, rW2, rg, rb):
    x_receiver = x_sender  # x_receiver=None path
    xs = x_sender[:, idx_sender]      # gather [B, E, H]
    xr = x_receiver[:, idx_receiver]  # gather [B, E, H]
    edge_update = _mlp(jnp.concatenate([edge_attr, xs, xr], axis=2), eW1, eb1, eW2, eg, eb)
    N = x_receiver.shape[1]
    sums = jax.vmap(lambda e: jax.ops.segment_sum(e, idx_receiver, num_segments=N))(edge_update)
    counts = jnp.bincount(idx_receiver, length=N)
    collated = sums / jnp.maximum(counts, 1).astype(sums.dtype)[None, :, None]  # scatter mean
    node_update = _mlp(jnp.concatenate([x_receiver, collated], axis=2), rW1, rb1, rW2, rg, rb)
    new_edge_attr = edge_attr + edge_update
    new_x_receiver = x_receiver + node_update
    return (new_x_receiver, new_edge_attr)

if __name__ == "__main__":
    import jax
    _d = setup_inputs()
    print(jax.jit(kernel)(*tuple(_d.values())))

</pallas_src>

<mosaic_0001>
#map = affine_map<(d0, d1) -> (0, 0)>
#map1 = affine_map<(d0, d1) -> (0, 0, 0)>
#map2 = affine_map<(d0, d1) -> (0)>
module attributes {stable_mosaic.version = 14 : i64} {
  func.func @_gather_kernel(%arg0: i32, %arg1: i32, %arg2: memref<10000x128xf32, #tpu.memory_space<hbm>>, %arg3: memref<10000x128xf32, #tpu.memory_space<hbm>>, %arg4: memref<4000x1x80xi32, #tpu.memory_space<hbm>>, %arg5: memref<4000x1x80xi32, #tpu.memory_space<hbm>>, %arg6: memref<320000x128xf32, #tpu.memory_space<hbm>>, %arg7: memref<320000x128xf32, #tpu.memory_space<hbm>>, %arg8: memref<327680xf32, #tpu.memory_space<hbm>>, %arg9: memref<1x80xi32, #tpu.memory_space<vmem>>, %arg10: memref<1x80xi32, #tpu.memory_space<vmem>>, %arg11: memref<40x128xf32, #tpu.memory_space<vmem>>, %arg12: memref<40x128xf32, #tpu.memory_space<vmem>>, %arg13: memref<40x128xf32, #tpu.memory_space<vmem>>, %arg14: memref<40x128xf32, #tpu.memory_space<vmem>>, %arg15: memref<10240xf32, #tpu.memory_space<vmem>>, %arg16: memref<!tpu.dma_semaphore, #tpu.memory_space<semaphore_mem>>, %arg17: memref<!tpu.dma_semaphore, #tpu.memory_space<semaphore_mem>>, %arg18: memref<!tpu.dma_semaphore, #tpu.memory_space<semaphore_mem>>, %arg19: memref<!tpu.dma_semaphore, #tpu.memory_space<semaphore_mem>>, %arg20: memref<!tpu.dma_semaphore, #tpu.memory_space<semaphore_mem>>, %arg21: memref<!tpu.dma_semaphore, #tpu.memory_space<semaphore_mem>>, %arg22: memref<!tpu.dma_semaphore, #tpu.memory_space<semaphore_mem>>, %arg23: memref<!tpu.dma_semaphore, #tpu.memory_space<semaphore_mem>>, %arg24: memref<!tpu.dma_semaphore, #tpu.memory_space<semaphore_mem>>, %arg25: memref<!tpu.dma_semaphore, #tpu.memory_space<semaphore_mem>>) attributes {dimension_semantics = [#tpu.dimension_semantics<core_parallel>, #tpu.dimension_semantics<subcore_parallel>], iteration_bounds = array<i64: 2, 16>, scalar_prefetch = 0 : i64, scratch_operands = 17 : i64, tpu.core_type = #tpu.core_type<sc_vector_subcore>, window_params = [{transform_indices = #map}, {transform_indices = #map}, {transform_indices = #map1}, {transform_indices = #map1}, {transform_indices = #map}, {transform_indices = #map}, {transform_indices = #map2}]} {
    %mul3A = arith.constant 16 : i32
    %mul3A_0 = arith.muli %arg0, %mul3A : i32
    %add3A = arith.addi %mul3A_0, %arg1 : i32
    %broadcast_in_dim3A = arith.constant 0.000000e+00 : f32
    %broadcast_in_dim3A_1 = vector.broadcast %broadcast_in_dim3A : f32 to vector<16xf32>
    %add3A_2 = arith.constant 1.000000e+00 : f32
    %add3A_3 = vector.broadcast %add3A_2 : f32 to vector<16xf32>
    %add3A_4 = arith.addf %broadcast_in_dim3A_1, %add3A_3 : vector<16xf32>
    %scan3A = arith.constant 0 : i32
    %scan3A_5 = arith.constant 640 : i32
    %scan3A_6 = arith.addi %scan3A, %scan3A_5 : i32
    %scan3A_7 = arith.constant 1 : i32
    scf.for %scan3A_18 = %scan3A to %scan3A_6 step %scan3A_7  : i32 {
      %mul3A_19 = arith.constant 16 : i32
      %mul3A_20 = arith.muli %scan3A_18, %mul3A_19 : i32
      %add3A_21 = arith.constant 0 : i32
      %add3A_22 = arith.addi %add3A_21, %mul3A_20 : i32
      %swap3A = arith.index_cast %add3A_22 : i32 to index
      %swap3A_23 = tpu.vector_load %arg15[%swap3A] {strides = array<i32>} : memref<10240xf32, #tpu.memory_space<vmem>>, vector<16xf32>,
      tpu.vector_store %arg15[%swap3A], %broadcast_in_dim3A_1 {strides = array<i32>} : memref<10240xf32, #tpu.memory_space<vmem>>, vector<16xf32>,
    }
    %scan3A_8 = arith.constant 640 : i32
    %mul3A_9 = arith.constant 10000 : i32
    %mul3A_10 = arith.muli %add3A, %mul3A_9 : i32
    %scan3A_11 = arith.constant 0 : i32
    %scan3A_12 = arith.constant 125 : i32
    %scan3A_13 = arith.addi %scan3A_11, %scan3A_12 : i32
    %scan3A_14 = arith.constant 1 : i32
    scf.for %scan3A_18 = %scan3A_11 to %scan3A_13 step %scan3A_14  : i32 {
      %mul3A_19 = arith.constant 1 : i32
      %mul3A_20 = arith.muli %scan3A_18, %mul3A_19 : i32
      %add3A_21 = arith.constant 0 : i32
      %add3A_22 = arith.addi %add3A_21, %mul3A_20 : i32
      %mul3A_23 = arith.constant 80 : i32
      %mul3A_24 = arith.muli %add3A_22, %mul3A_23 : i32
      %add3A_25 = arith.addi %mul3A_10, %mul3A_24 : i32
      %mul3A_26 = arith.constant 125 : i32
      %mul3A_27 = arith.muli %add3A, %mul3A_26 : i32
      %add3A_28 = arith.addi %mul3A_27, %add3A_22 : i32
      %dma_start3A = arith.constant 0 : i32
      %dma_start3A_29 = arith.constant 0 : i32
      %dma_start3A_30 = tpu.memref_slice %arg4[%add3A_28, %dma_start3A, %dma_start3A_29] : memref<4000x1x80xi32, #tpu.memory_space<hbm>> -> memref<1x1x80xi32, #tpu.memory_space<hbm>>
      %dma_start3A_31 = tpu.memref_squeeze %dma_start3A_30 : memref<1x1x80xi32, #tpu.memory_space<hbm>> -> memref<1x80xi32, #tpu.memory_space<hbm>>
      %dma_start3A_32 = arith.constant 0 : i32
      %dma_start3A_33 = arith.constant 0 : i32
      %dma_start3A_34 = tpu.memref_slice %arg4[%add3A_28, %dma_start3A_32, %dma_start3A_33] : memref<4000x1x80xi32, #tpu.memory_space<hbm>> -> memref<1x1x80xi32, #tpu.memory_space<hbm>>
      %dma_start3A_35 = tpu.memref_squeeze %dma_start3A_34 : memref<1x1x80xi32, #tpu.memory_space<hbm>> -> memref<1x80xi32, #tpu.memory_space<hbm>>
      tpu.enqueue_dma source(%dma_start3A_35 : memref<1x80xi32, #tpu.memory_space<hbm>>) target(%arg9 : memref<1x80xi32, #tpu.memory_space<vmem>>) target_semaphore(%arg16 : memref<!tpu.dma_semaphore, #tpu.memory_space<semaphore_mem>>)
      %dma_start3A_36 = arith.constant 0 : i32
      %dma_start3A_37 = arith.constant 0 : i32
      %dma_start3A_38 = tpu.memref_slice %arg5[%add3A_28, %dma_start3A_36, %dma_start3A_37] : memref<4000x1x80xi32, #tpu.memory_space<hbm>> -> memref<1x1x80xi32, #tpu.memory_space<hbm>>
      %dma_start3A_39 = tpu.memref_squeeze %dma_start3A_38 : memref<1x1x80xi32, #tpu.memory_space<hbm>> -> memref<1x80xi32, #tpu.memory_space<hbm>>
      %dma_start3A_40 = arith.constant 0 : i32
      %dma_start3A_41 = arith.constant 0 : i32
      %dma_start3A_42 = tpu.memref_slice %arg5[%add3A_28, %dma_start3A_40, %dma_start3A_41] : memref<4000x1x80xi32, #tpu.memory_space<hbm>> -> memref<1x1x80xi32, #tpu.memory_space<hbm>>
      %dma_start3A_43 = tpu.memref_squeeze %dma_start3A_42 : memref<1x1x80xi32, #tpu.memory_space<hbm>> -> memref<1x80xi32, #tpu.memory_space<hbm>>
      tpu.enqueue_dma source(%dma_start3A_43 : memref<1x80xi32, #tpu.memory_space<hbm>>) target(%arg10 : memref<1x80xi32, #tpu.memory_space<vmem>>) target_semaphore(%arg17 : memref<!tpu.dma_semaphore, #tpu.memory_space<semaphore_mem>>)
      %dma_wait3A = arith.constant 0 : i32
      %dma_wait3A_44 = arith.constant 0 : i32
      %dma_wait3A_45 = tpu.memref_slice %arg4[%add3A_28, %dma_wait3A, %dma_wait3A_44] : memref<4000x1x80xi32, #tpu.memory_space<hbm>> -> memref<1x1x80xi32, #tpu.memory_space<hbm>>
      %dma_wait3A_46 = tpu.memref_squeeze %dma_wait3A_45 : memref<1x1x80xi32, #tpu.memory_space<hbm>> -> memref<1x80xi32, #tpu.memory_space<hbm>>
      %dma_wait3A_47 = arith.constant 0 : i32
      %dma_wait3A_48 = arith.constant 0 : i32
      %dma_wait3A_49 = tpu.memref_slice %arg4[%add3A_28, %dma_wait3A_47, %dma_wait3A_48] : memref<4000x1x80xi32, #tpu.memory_space<hbm>> -> memref<1x1x80xi32, #tpu.memory_space<hbm>>
      %dma_wait3A_50 = tpu.memref_squeeze %dma_wait3A_49 : memref<1x1x80xi32, #tpu.memory_space<hbm>> -> memref<1x80xi32, #tpu.memory_space<hbm>>
      tpu.wait_dma2 semaphore(%arg16 : memref<!tpu.dma_semaphore, #tpu.memory_space<semaphore_mem>>) src(%dma_wait3A_50 : memref<1x80xi32, #tpu.memory_space<hbm>>) dst(%arg9 : memref<1x80xi32, #tpu.memory_space<vmem>>)
      %dma_start3A_51 = arith.constant 0 : i32
      %dma_start3A_52 = arith.constant 0 : i32
      %dma_start3A_53 = tpu.memref_slice %arg9[%dma_start3A_51, %dma_start3A_52] : memref<1x80xi32, #tpu.memory_space<vmem>> -> memref<1x40xi32, #tpu.memory_space<vmem>>
      %dma_start3A_54 = tpu.memref_squeeze %dma_start3A_53 : memref<1x40xi32, #tpu.memory_space<vmem>> -> memref<40xi32, #tpu.memory_space<vmem>>
      %dma_start3A_55 = arith.constant 0 : i32
      %dma_start3A_56 = arith.constant 0 : i32
      %dma_start3A_57 = tpu.memref_slice %arg2[%dma_start3A_55, %dma_start3A_56] : memref<10000x128xf32, #tpu.memory_space<hbm>> -> memref<10000x128xf32, #tpu.memory_space<hbm>>
      tpu.enqueue_indirect_dma source(%dma_start3A_57 : memref<10000x128xf32, #tpu.memory_space<hbm>>) target(%arg11 : memref<40x128xf32, #tpu.memory_space<vmem>>) offsets(%dma_start3A_54 : memref<40xi32, #tpu.memory_space<vmem>>) semaphore(%arg18 : memref<!tpu.dma_semaphore, #tpu.memory_space<semaphore_mem>>)
      %dma_start3A_58 = arith.constant 0 : i32
      %dma_start3A_59 = arith.constant 40 : i32
      %dma_start3A_60 = tpu.memref_slice %arg9[%dma_start3A_58, %dma_start3A_59] : memref<1x80xi32, #tpu.memory_space<vmem>> -> memref<1x40xi32, #tpu.memory_space<vmem>>
      %dma_start3A_61 = tpu.memref_squeeze %dma_start3A_60 : memref<1x40xi32, #tpu.memory_space<vmem>> -> memref<40xi32, #tpu.memory_space<vmem>>
      %dma_start3A_62 = arith.constant 0 : i32
      %dma_start3A_63 = arith.constant 0 : i32
      %dma_start3A_64 = tpu.memref_slice %arg2[%dma_start3A_62, %dma_start3A_63] : memref<10000x128xf32, #tpu.memory_space<hbm>> -> memref<10000x128xf32, #tpu.memory_space<hbm>>
      tpu.enqueue_indirect_dma source(%dma_start3A_64 : memref<10000x128xf32, #tpu.memory_space<hbm>>) target(%arg12 : memref<40x128xf32, #tpu.memory_space<vmem>>) offsets(%dma_start3A_61 : memref<40xi32, #tpu.memory_space<vmem>>) semaphore(%arg19 : memref<!tpu.dma_semaphore, #tpu.memory_space<semaphore_mem>>)
      %dma_wait3A_65 = arith.constant 0 : i32
      %dma_wait3A_66 = arith.constant 0 : i32
      %dma_wait3A_67 = tpu.memref_slice %arg5[%add3A_28, %dma_wait3A_65, %dma_wait3A_66] : memref<4000x1x80xi32, #tpu.memory_space<hbm>> -> memref<1x1x80xi32, #tpu.memory_space<hbm>>
      %dma_wait3A_68 = tpu.memref_squeeze %dma_wait3A_67 : memref<1x1x80xi32, #tpu.memory_space<hbm>> -> memref<1x80xi32, #tpu.memory_space<hbm>>
      %dma_wait3A_69 = arith.constant 0 : i32
      %dma_wait3A_70 = arith.constant 0 : i32
      %dma_wait3A_71 = tpu.memref_slice %arg5[%add3A_28, %dma_wait3A_69, %dma_wait3A_70] : memref<4000x1x80xi32, #tpu.memory_space<hbm>> -> memref<1x1x80xi32, #tpu.memory_space<hbm>>
      %dma_wait3A_72 = tpu.memref_squeeze %dma_wait3A_71 : memref<1x1x80xi32, #tpu.memory_space<hbm>> -> memref<1x80xi32, #tpu.memory_space<hbm>>
      tpu.wait_dma2 semaphore(%arg17 : memref<!tpu.dma_semaphore, #tpu.memory_space<semaphore_mem>>) src(%dma_wait3A_72 : memref<1x80xi32, #tpu.memory_space<hbm>>) dst(%arg10 : memref<1x80xi32, #tpu.memory_space<vmem>>)
      %dma_start3A_73 = arith.constant 0 : i32
      %dma_start3A_74 = arith.constant 0 : i32
      %dma_start3A_75 = tpu.memref_slice %arg10[%dma_start3A_73, %dma_start3A_74] : memref<1x80xi32, #tpu.memory_space<vmem>> -> memref<1x40xi32, #tpu.memory_space<vmem>>
      %dma_start3A_76 = tpu.memref_squeeze %dma_start3A_75 : memref<1x40xi32, #tpu.memory_space<vmem>> -> memref<40xi32, #tpu.memory_space<vmem>>
      %dma_start3A_77 = arith.constant 0 : i32
      %dma_start3A_78 = arith.constant 0 : i32
      %dma_start3A_79 = tpu.memref_slice %arg3[%dma_start3A_77, %dma_start3A_78] : memref<10000x128xf32, #tpu.memory_space<hbm>> -> memref<10000x128xf32, #tpu.memory_space<hbm>>
      tpu.enqueue_indirect_dma source(%dma_start3A_79 : memref<10000x128xf32, #tpu.memory_space<hbm>>) target(%arg13 : memref<40x128xf32, #tpu.memory_space<vmem>>) offsets(%dma_start3A_76 : memref<40xi32, #tpu.memory_space<vmem>>) semaphore(%arg20 : memref<!tpu.dma_semaphore, #tpu.memory_space<semaphore_mem>>)
      %dma_start3A_80 = arith.constant 0 : i32
      %dma_start3A_81 = arith.constant 40 : i32
      %dma_start3A_82 = tpu.memref_slice %arg10[%dma_start3A_80, %dma_start3A_81] : memref<1x80xi32, #tpu.memory_space<vmem>> -> memref<1x40xi32, #tpu.memory_space<vmem>>
      %dma_start3A_83 = tpu.memref_squeeze %dma_start3A_82 : memref<1x40xi32, #tpu.memory_space<vmem>> -> memref<40xi32, #tpu.memory_space<vmem>>
      %dma_start3A_84 = arith.constant 0 : i32
      %dma_start3A_85 = arith.constant 0 : i32
      %dma_start3A_86 = tpu.memref_slice %arg3[%dma_start3A_84, %dma_start3A_85] : memref<10000x128xf32, #tpu.memory_space<hbm>> -> memref<10000x128xf32, #tpu.memory_space<hbm>>
      tpu.enqueue_indirect_dma source(%dma_start3A_86 : memref<10000x128xf32, #tpu.memory_space<hbm>>) target(%arg14 : memref<40x128xf32, #tpu.memory_space<vmem>>) offsets(%dma_start3A_83 : memref<40xi32, #tpu.memory_space<vmem>>) semaphore(%arg21 : memref<!tpu.dma_semaphore, #tpu.memory_space<semaphore_mem>>)
      %scan3A_87 = arith.constant 0 : i32
      %scan3A_88 = arith.constant 5 : i32
      %scan3A_89 = arith.addi %scan3A_87, %scan3A_88 : i32
      %scan3A_90 = arith.constant 1 : i32
      scf.for %scan3A_156 = %scan3A_87 to %scan3A_89 step %scan3A_90  : i32 {
        %mul3A_157 = arith.constant 16 : i32
        %mul3A_158 = arith.muli %scan3A_156, %mul3A_157 : i32
        %add3A_159 = arith.constant 0 : i32
        %add3A_160 = arith.addi %add3A_159, %mul3A_158 : i32
        %get3A = arith.constant 0 : i32
        %get3A_161 = arith.index_cast %get3A : i32 to index
        %get3A_162 = arith.index_cast %add3A_160 : i32 to index
        %get3A_163 = tpu.vector_load %arg10[%get3A_161, %get3A_162] {strides = array<i32>} : memref<1x80xi32, #tpu.memory_space<vmem>>, vector<16xi32>,
        tpu.vector_store_idx %arg15[%get3A_163], %add3A_4 {add = true} : memref<10240xf32, #tpu.memory_space<vmem>>[vector<16xi32>], vector<16xf32>,
      }
      %scan3A_91 = arith.constant 5 : i32
      %dma_wait3A_92 = arith.constant 0 : i32
      %dma_wait3A_93 = arith.constant 0 : i32
      %dma_wait3A_94 = tpu.memref_slice %arg9[%dma_wait3A_92, %dma_wait3A_93] : memref<1x80xi32, #tpu.memory_space<vmem>> -> memref<1x40xi32, #tpu.memory_space<vmem>>
      %dma_wait3A_95 = tpu.memref_squeeze %dma_wait3A_94 : memref<1x40xi32, #tpu.memory_space<vmem>> -> memref<40xi32, #tpu.memory_space<vmem>>
      %dma_wait3A_96 = arith.constant 0 : i32
      %dma_wait3A_97 = arith.constant 0 : i32
      %dma_wait3A_98 = tpu.memref_slice %arg2[%dma_wait3A_96, %dma_wait3A_97] : memref<10000x128xf32, #tpu.memory_space<hbm>> -> memref<10000x128xf32, #tpu.memory_space<hbm>>
      tpu.wait_indirect_dma semaphore(%arg18 : memref<!tpu.dma_semaphore, #tpu.memory_space<semaphore_mem>>) src(%dma_wait3A_98 : memref<10000x128xf32, #tpu.memory_space<hbm>>) dst(%arg11 : memref<40x128xf32, #tpu.memory_space<vmem>>)
      %dma_start3A_99 = arith.constant 0 : i32
      %dma_start3A_100 = tpu.memref_slice %arg6[%add3A_25, %dma_start3A_99] : memref<320000x128xf32, #tpu.memory_space<hbm>> -> memref<40x128xf32, #tpu.memory_space<hbm>>
      %dma_start3A_101 = arith.constant 0 : i32
      %dma_start3A_102 = tpu.memref_slice %arg6[%add3A_25, %dma_start3A_101] : memref<320000x128xf32, #tpu.memory_space<hbm>> -> memref<40x128xf32, #tpu.memory_space<hbm>>
      tpu.enqueue_dma source(%arg11 : memref<40x128xf32, #tpu.memory_space<vmem>>) target(%dma_start3A_102 : memref<40x128xf32, #tpu.memory_space<hbm>>) target_semaphore(%arg22 : memref<!tpu.dma_semaphore, #tpu.memory_space<semaphore_mem>>)
      %dma_wait3A_103 = arith.constant 0 : i32
      %dma_wait3A_104 = arith.constant 40 : i32
      %dma_wait3A_105 = tpu.memref_slice %arg9[%dma_wait3A_103, %dma_wait3A_104] : memref<1x80xi32, #tpu.memory_space<vmem>> -> memref<1x40xi32, #tpu.memory_space<vmem>>
      %dma_wait3A_106 = tpu.memref_squeeze %dma_wait3A_105 : memref<1x40xi32, #tpu.memory_space<vmem>> -> memref<40xi32, #tpu.memory_space<vmem>>
      %dma_wait3A_107 = arith.constant 0 : i32
      %dma_wait3A_108 = arith.constant 0 : i32
      %dma_wait3A_109 = tpu.memref_slice %arg2[%dma_wait3A_107, %dma_wait3A_108] : memref<10000x128xf32, #tpu.memory_space<hbm>> -> memref<10000x128xf32, #tpu.memory_space<hbm>>
      tpu.wait_indirect_dma semaphore(%arg19 : memref<!tpu.dma_semaphore, #tpu.memory_space<semaphore_mem>>) src(%dma_wait3A_109 : memref<10000x128xf32, #tpu.memory_space<hbm>>) dst(%arg12 : memref<40x128xf32, #tpu.memory_space<vmem>>)
      %add3A_110 = arith.constant 40 : i32
      %add3A_111 = arith.addi %add3A_25, %add3A_110 : i32
      %dma_start3A_112 = arith.constant 0 : i32
      %dma_start3A_113 = tpu.memref_slice %arg6[%add3A_111, %dma_start3A_112] : memref<320000x128xf32, #tpu.memory_space<hbm>> -> memref<40x128xf32, #tpu.memory_space<hbm>>
      %dma_start3A_114 = arith.constant 0 : i32
      %dma_start3A_115 = tpu.memref_slice %arg6[%add3A_111, %dma_start3A_114] : memref<320000x128xf32, #tpu.memory_space<hbm>> -> memref<40x128xf32, #tpu.memory_space<hbm>>
      tpu.enqueue_dma source(%arg12 : memref<40x128xf32, #tpu.memory_space<vmem>>) target(%dma_start3A_115 : memref<40x128xf32, #tpu.memory_space<hbm>>) target_semaphore(%arg23 : memref<!tpu.dma_semaphore, #tpu.memory_space<semaphore_mem>>)
      %dma_wait3A_116 = arith.constant 0 : i32
      %dma_wait3A_117 = arith.constant 0 : i32
      %dma_wait3A_118 = tpu.memref_slice %arg10[%dma_wait3A_116, %dma_wait3A_117] : memref<1x80xi32, #tpu.memory_space<vmem>> -> memref<1x40xi32, #tpu.memory_space<vmem>>
      %dma_wait3A_119 = tpu.memref_squeeze %dma_wait3A_118 : memref<1x40xi32, #tpu.memory_space<vmem>> -> memref<40xi32, #tpu.memory_space<vmem>>
      %dma_wait3A_120 = arith.constant 0 : i32
      %dma_wait3A_121 = arith.constant 0 : i32
      %dma_wait3A_122 = tpu.memref_slice %arg3[%dma_wait3A_120, %dma_wait3A_121] : memref<10000x128xf32, #tpu.memory_space<hbm>> -> memref<10000x128xf32, #tpu.memory_space<hbm>>
      tpu.wait_indirect_dma semaphore(%arg20 : memref<!tpu.dma_semaphore, #tpu.memory_space<semaphore_mem>>) src(%dma_wait3A_122 : memref<10000x128xf32, #tpu.memory_space<hbm>>) dst(%arg13 : memref<40x128xf32, #tpu.memory_space<vmem>>)
      %dma_start3A_123 = arith.constant 0 : i32
      %dma_start3A_124 = tpu.memref_slice %arg7[%add3A_25, %dma_start3A_123] : memref<320000x128xf32, #tpu.memory_space<hbm>> -> memref<40x128xf32, #tpu.memory_space<hbm>>
      %dma_start3A_125 = arith.constant 0 : i32
      %dma_start3A_126 = tpu.memref_slice %arg7[%add3A_25, %dma_start3A_125] : memref<320000x128xf32, #tpu.memory_space<hbm>> -> memref<40x128xf32, #tpu.memory_space<hbm>>
      tpu.enqueue_dma source(%arg13 : memref<40x128xf32, #tpu.memory_space<vmem>>) target(%dma_start3A_126 : memref<40x128xf32, #tpu.memory_space<hbm>>) target_semaphore(%arg24 : memref<!tpu.dma_semaphore, #tpu.memory_space<semaphore_mem>>)
      %dma_wait3A_127 = arith.constant 0 : i32
      %dma_wait3A_128 = arith.constant 40 : i32
      %dma_wait3A_129 = tpu.memref_slice %arg10[%dma_wait3A_127, %dma_wait3A_128] : memref<1x80xi32, #tpu.memory_space<vmem>> -> memref<1x40xi32, #tpu.memory_space<vmem>>
      %dma_wait3A_130 = tpu.memref_squeeze %dma_wait3A_129 : memref<1x40xi32, #tpu.memory_space<vmem>> -> memref<40xi32, #tpu.memory_space<vmem>>
      %dma_wait3A_131 = arith.constant 0 : i32
      %dma_wait3A_132 = arith.constant 0 : i32
      %dma_wait3A_133 = tpu.memref_slice %arg3[%dma_wait3A_131, %dma_wait3A_132] : memref<10000x128xf32, #tpu.memory_space<hbm>> -> memref<10000x128xf32, #tpu.memory_space<hbm>>
      tpu.wait_indirect_dma semaphore(%arg21 : memref<!tpu.dma_semaphore, #tpu.memory_space<semaphore_mem>>) src(%dma_wait3A_133 : memref<10000x128xf32, #tpu.memory_space<hbm>>) dst(%arg14 : memref<40x128xf32, #tpu.memory_space<vmem>>)
      %add3A_134 = arith.constant 40 : i32
      %add3A_135 = arith.addi %add3A_25, %add3A_134 : i32
      %dma_start3A_136 = arith.constant 0 : i32
      %dma_start3A_137 = tpu.memref_slice %arg7[%add3A_135, %dma_start3A_136] : memref<320000x128xf32, #tpu.memory_space<hbm>> -> memref<40x128xf32, #tpu.memory_space<hbm>>
      %dma_start3A_138 = arith.constant 0 : i32
      %dma_start3A_139 = tpu.memref_slice %arg7[%add3A_135, %dma_start3A_138] : memref<320000x128xf32, #tpu.memory_space<hbm>> -> memref<40x128xf32, #tpu.memory_space<hbm>>
      tpu.enqueue_dma source(%arg14 : memref<40x128xf32, #tpu.memory_space<vmem>>) target(%dma_start3A_139 : memref<40x128xf32, #tpu.memory_space<hbm>>) target_semaphore(%arg25 : memref<!tpu.dma_semaphore, #tpu.memory_space<semaphore_mem>>)
      %dma_wait3A_140 = arith.constant 0 : i32
      %dma_wait3A_141 = tpu.memref_slice %arg6[%add3A_25, %dma_wait3A_140] : memref<320000x128xf32, #tpu.memory_space<hbm>> -> memref<40x128xf32, #tpu.memory_space<hbm>>
      %dma_wait3A_142 = arith.constant 0 : i32
      %dma_wait3A_143 = tpu.memref_slice %arg6[%add3A_25, %dma_wait3A_142] : memref<320000x128xf32, #tpu.memory_space<hbm>> -> memref<40x128xf32, #tpu.memory_space<hbm>>
      tpu.wait_dma2 semaphore(%arg22 : memref<!tpu.dma_semaphore, #tpu.memory_space<semaphore_mem>>) src(%arg11 : memref<40x128xf32, #tpu.memory_space<vmem>>) dst(%dma_wait3A_143 : memref<40x128xf32, #tpu.memory_space<hbm>>)
      %dma_wait3A_144 = arith.constant 0 : i32
      %dma_wait3A_145 = tpu.memref_slice %arg6[%add3A_111, %dma_wait3A_144] : memref<320000x128xf32, #tpu.memory_space<hbm>> -> memref<40x128xf32, #tpu.memory_space<hbm>>
      %dma_wait3A_146 = arith.constant 0 : i32
      %dma_wait3A_147 = tpu.memref_slice %arg6[%add3A_111, %dma_wait3A_146] : memref<320000x128xf32, #tpu.memory_space<hbm>> -> memref<40x128xf32, #tpu.memory_space<hbm>>
      tpu.wait_dma2 semaphore(%arg23 : memref<!tpu.dma_semaphore, #tpu.memory_space<semaphore_mem>>) src(%arg12 : memref<40x128xf32, #tpu.memory_space<vmem>>) dst(%dma_wait3A_147 : memref<40x128xf32, #tpu.memory_space<hbm>>)
      %dma_wait3A_148 = arith.constant 0 : i32
      %dma_wait3A_149 = tpu.memref_slice %arg7[%add3A_25, %dma_wait3A_148] : memref<320000x128xf32, #tpu.memory_space<hbm>> -> memref<40x128xf32, #tpu.memory_space<hbm>>
      %dma_wait3A_150 = arith.constant 0 : i32
      %dma_wait3A_151 = tpu.memref_slice %arg7[%add3A_25, %dma_wait3A_150] : memref<320000x128xf32, #tpu.memory_space<hbm>> -> memref<40x128xf32, #tpu.memory_space<hbm>>
      tpu.wait_dma2 semaphore(%arg24 : memref<!tpu.dma_semaphore, #tpu.memory_space<semaphore_mem>>) src(%arg13 : memref<40x128xf32, #tpu.memory_space<vmem>>) dst(%dma_wait3A_151 : memref<40x128xf32, #tpu.memory_space<hbm>>)
      %dma_wait3A_152 = arith.constant 0 : i32
      %dma_wait3A_153 = tpu.memref_slice %arg7[%add3A_135, %dma_wait3A_152] : memref<320000x128xf32, #tpu.memory_space<hbm>> -> memref<40x128xf32, #tpu.memory_space<hbm>>
      %dma_wait3A_154 = arith.constant 0 : i32
      %dma_wait3A_155 = tpu.memref_slice %arg7[%add3A_135, %dma_wait3A_154] : memref<320000x128xf32, #tpu.memory_space<hbm>> -> memref<40x128xf32, #tpu.memory_space<hbm>>
      tpu.wait_dma2 semaphore(%arg25 : memref<!tpu.dma_semaphore, #tpu.memory_space<semaphore_mem>>) src(%arg14 : memref<40x128xf32, #tpu.memory_space<vmem>>) dst(%dma_wait3A_155 : memref<40x128xf32, #tpu.memory_space<hbm>>)
    }
    %scan3A_15 = arith.constant 125 : i32
    %mul3A_16 = arith.constant 10240 : i32
    %mul3A_17 = arith.muli %add3A, %mul3A_16 : i32
    "tpu.region"() ({
      %run_scoped3A = tpu.sem_alloc : memref<!tpu.dma_semaphore, #tpu.memory_space<semaphore_mem>>
      %dma_start3A = tpu.memref_slice %arg8[%mul3A_17] : memref<327680xf32, #tpu.memory_space<hbm>> -> memref<10240xf32, #tpu.memory_space<hbm>>
      %dma_start3A_18 = tpu.memref_slice %arg8[%mul3A_17] : memref<327680xf32, #tpu.memory_space<hbm>> -> memref<10240xf32, #tpu.memory_space<hbm>>
      tpu.enqueue_dma source(%arg15 : memref<10240xf32, #tpu.memory_space<vmem>>) target(%dma_start3A_18 : memref<10240xf32, #tpu.memory_space<hbm>>) target_semaphore(%run_scoped3A : memref<!tpu.dma_semaphore, #tpu.memory_space<semaphore_mem>>)
      %dma_wait3A = tpu.memref_slice %arg8[%mul3A_17] : memref<327680xf32, #tpu.memory_space<hbm>> -> memref<10240xf32, #tpu.memory_space<hbm>>
      %dma_wait3A_19 = tpu.memref_slice %arg8[%mul3A_17] : memref<327680xf32, #tpu.memory_space<hbm>> -> memref<10240xf32, #tpu.memory_space<hbm>>
      tpu.wait_dma2 semaphore(%run_scoped3A : memref<!tpu.dma_semaphore, #tpu.memory_space<semaphore_mem>>) src(%arg15 : memref<10240xf32, #tpu.memory_space<vmem>>) dst(%dma_wait3A_19 : memref<10240xf32, #tpu.memory_space<hbm>>)
      tpu.yield
    }) : () -> ()
    return
  }
}

#map = affine_map<(d0, d1) -> (0, 0)>
#map1 = affine_map<(d0, d1) -> (0, 0, 0)>
module attributes {stable_mosaic.version = 14 : i64} {
  func.func @_scatter_kernel(%arg0: i32, %arg1: i32, %arg2: memref<320000x128xf32, #tpu.memory_space<hbm>>, %arg3: memref<8000x1x40xi32, #tpu.memory_space<hbm>>, %arg4: memref<2x10240x128xf32, #tpu.memory_space<hbm>>, %arg5: memref<40x128xf32, #tpu.memory_space<vmem>>, %arg6: memref<40x128xf32, #tpu.memory_space<vmem>>, %arg7: memref<1x40xi32, #tpu.memory_space<vmem>>, %arg8: memref<1x40xi32, #tpu.memory_space<vmem>>, %arg9: memref<!tpu.dma_semaphore, #tpu.memory_space<semaphore_mem>>, %arg10: memref<!tpu.dma_semaphore, #tpu.memory_space<semaphore_mem>>, %arg11: memref<!tpu.dma_semaphore, #tpu.memory_space<semaphore_mem>>, %arg12: memref<!tpu.dma_semaphore, #tpu.memory_space<semaphore_mem>>, %arg13: memref<10240x128xf32, #tpu.memory_space<vmem_shared>>) attributes {dimension_semantics = [#tpu.dimension_semantics<core_parallel>, #tpu.dimension_semantics<subcore_parallel>], iteration_bounds = array<i64: 2, 16>, scalar_prefetch = 0 : i64, scratch_operands = 9 : i64, tpu.core_type = #tpu.core_type<sc_vector_subcore>, window_params = [{transform_indices = #map}, {transform_indices = #map1}, {transform_indices = #map1}]} {
    %mul3A = arith.constant 16 : i32
    %mul3A_0 = arith.muli %arg0, %mul3A : i32
    %add3A = arith.addi %mul3A_0, %arg1 : i32
    %broadcast_in_dim3A = arith.constant 0.000000e+00 : f32
    %broadcast_in_dim3A_1 = vector.broadcast %broadcast_in_dim3A : f32 to vector<16xf32>
    %scan3A = arith.constant 0 : i32
    %scan3A_2 = arith.constant 40 : i32
    %scan3A_3 = arith.addi %scan3A, %scan3A_2 : i32
    %scan3A_4 = arith.constant 1 : i32
    scf.for %scan3A_24 = %scan3A to %scan3A_3 step %scan3A_4  : i32 {
      %mul3A_25 = arith.constant 1 : i32
      %mul3A_26 = arith.muli %scan3A_24, %mul3A_25 : i32
      %add3A_27 = arith.constant 0 : i32
      %add3A_28 = arith.addi %add3A_27, %mul3A_26 : i32
      %scan3A_29 = arith.constant 0 : i32
      %scan3A_30 = arith.constant 8 : i32
      %scan3A_31 = arith.addi %scan3A_29, %scan3A_30 : i32
      %scan3A_32 = arith.constant 1 : i32
      scf.for %scan3A_34 = %scan3A_29 to %scan3A_31 step %scan3A_32  : i32 {
        %mul3A_35 = arith.constant 16 : i32
        %mul3A_36 = arith.muli %scan3A_34, %mul3A_35 : i32
        %add3A_37 = arith.constant 0 : i32
        %add3A_38 = arith.addi %add3A_37, %mul3A_36 : i32
        %swap3A = arith.index_cast %add3A_28 : i32 to index
        %swap3A_39 = arith.index_cast %add3A_38 : i32 to index
        %swap3A_40 = tpu.vector_load %arg5[%swap3A, %swap3A_39] {strides = array<i32>} : memref<40x128xf32, #tpu.memory_space<vmem>>, vector<1x16xf32>,
        %swap3A_41 = vector.shape_cast %swap3A_40 : vector<1x16xf32> to vector<16xf32>
        %swap3A_42 = vector.shape_cast %broadcast_in_dim3A_1 : vector<16xf32> to vector<1x16xf32>
        tpu.vector_store %arg5[%swap3A, %swap3A_39], %swap3A_42 {strides = array<i32>} : memref<40x128xf32, #tpu.memory_space<vmem>>, vector<1x16xf32>,
      }
      %scan3A_33 = arith.constant 8 : i32
    }
    %scan3A_5 = arith.constant 40 : i32
    %scan3A_6 = arith.constant 0 : i32
    %scan3A_7 = arith.constant 16 : i32
    %scan3A_8 = arith.addi %scan3A_6, %scan3A_7 : i32
    %scan3A_9 = arith.constant 1 : i32
    scf.for %scan3A_24 = %scan3A_6 to %scan3A_8 step %scan3A_9  : i32 {
      %mul3A_25 = arith.constant 40 : i32
      %mul3A_26 = arith.muli %scan3A_24, %mul3A_25 : i32
      %add3A_27 = arith.constant 0 : i32
      %add3A_28 = arith.addi %add3A_27, %mul3A_26 : i32
      %mul3A_29 = arith.constant 640 : i32
      %mul3A_30 = arith.muli %arg1, %mul3A_29 : i32
      %add3A_31 = arith.addi %mul3A_30, %add3A_28 : i32
      "tpu.region"() ({
        %run_scoped3A = tpu.sem_alloc : memref<!tpu.dma_semaphore, #tpu.memory_space<semaphore_mem>>
        %dma_start3A = arith.constant 0 : i32
        %dma_start3A_32 = tpu.memref_slice %arg13[%add3A_31, %dma_start3A] : memref<10240x128xf32, #tpu.memory_space<vmem_shared>> -> memref<40x128xf32, #tpu.memory_space<vmem_shared>>
        %dma_start3A_33 = arith.constant 0 : i32
        %dma_start3A_34 = tpu.memref_slice %arg13[%add3A_31, %dma_start3A_33] : memref<10240x128xf32, #tpu.memory_space<vmem_shared>> -> memref<40x128xf32, #tpu.memory_space<vmem_shared>>
        tpu.enqueue_dma source(%arg5 : memref<40x128xf32, #tpu.memory_space<vmem>>) target(%dma_start3A_34 : memref<40x128xf32, #tpu.memory_space<vmem_shared>>) target_semaphore(%run_scoped3A : memref<!tpu.dma_semaphore, #tpu.memory_space<semaphore_mem>>)
        %dma_wait3A = arith.constant 0 : i32
        %dma_wait3A_35 = tpu.memref_slice %arg13[%add3A_31, %dma_wait3A] : memref<10240x128xf32, #tpu.memory_space<vmem_shared>> -> memref<40x128xf32, #tpu.memory_space<vmem_shared>>
        %dma_wait3A_36 = arith.constant 0 : i32
        %dma_wait3A_37 = tpu.memref_slice %arg13[%add3A_31, %dma_wait3A_36] : memref<10240x128xf32, #tpu.memory_space<vmem_shared>> -> memref<40x128xf32, #tpu.memory_space<vmem_shared>>
        tpu.wait_dma2 semaphore(%run_scoped3A : memref<!tpu.dma_semaphore, #tpu.memory_space<semaphore_mem>>) src(%arg5 : memref<40x128xf32, #tpu.memory_space<vmem>>) dst(%dma_wait3A_37 : memref<40x128xf32, #tpu.memory_space<vmem_shared>>)
        tpu.yield
      }) : () -> ()
    }
    %scan3A_10 = arith.constant 16 : i32
    %barrier3A = arith.constant 0 : index
    tpu.barrier barrier_id(%barrier3A)
    %mul3A_11 = arith.constant 10000 : i32
    %mul3A_12 = arith.muli %add3A, %mul3A_11 : i32
    %scan3A_13 = arith.constant 0 : i32
    %scan3A_14 = arith.constant 125 : i32
    %scan3A_15 = arith.addi %scan3A_13, %scan3A_14 : i32
    %scan3A_16 = arith.constant 1 : i32
    scf.for %scan3A_24 = %scan3A_13 to %scan3A_15 step %scan3A_16  : i32 {
      %mul3A_25 = arith.constant 1 : i32
      %mul3A_26 = arith.muli %scan3A_24, %mul3A_25 : i32
      %add3A_27 = arith.constant 0 : i32
      %add3A_28 = arith.addi %add3A_27, %mul3A_26 : i32
      %mul3A_29 = arith.constant 80 : i32
      %mul3A_30 = arith.muli %add3A_28, %mul3A_29 : i32
      %add3A_31 = arith.addi %mul3A_12, %mul3A_30 : i32
      %mul3A_32 = arith.constant 10000 : i32
      %mul3A_33 = arith.muli %add3A, %mul3A_32 : i32
      %jit3A = arith.constant 40 : i32
      %div3A = arith.divsi %mul3A_33, %jit3A : i32
      %sign3A = arith.constant 0 : i32
      %sign3A_34 = arith.cmpi sgt, %mul3A_33, %sign3A : i32
      %sign3A_35 = arith.extui %sign3A_34 : i1 to i32
      %sign3A_36 = arith.constant 0 : i32
      %sign3A_37 = arith.cmpi slt, %mul3A_33, %sign3A_36 : i32
      %sign3A_38 = arith.extui %sign3A_37 : i1 to i32
      %sign3A_39 = arith.subi %sign3A_35, %sign3A_38 : i32
      %sign3A_40 = arith.constant 0 : i32
      %sign3A_41 = arith.cmpi sgt, %jit3A, %sign3A_40 : i32
      %sign3A_42 = arith.extui %sign3A_41 : i1 to i32
      %sign3A_43 = arith.constant 0 : i32
      %sign3A_44 = arith.cmpi slt, %jit3A, %sign3A_43 : i32
      %sign3A_45 = arith.extui %sign3A_44 : i1 to i32
      %sign3A_46 = arith.subi %sign3A_42, %sign3A_45 : i32
      %ne3A = arith.cmpi ne, %sign3A_39, %sign3A_46 : i32
      %rem3A = arith.remsi %mul3A_33, %jit3A : i32
      %ne3A_47 = arith.constant 0 : i32
      %ne3A_48 = arith.cmpi ne, %rem3A, %ne3A_47 : i32
      %and3A = arith.andi %ne3A, %ne3A_48 : i1
      %sub3A = arith.constant 1 : i32
      %sub3A_49 = arith.subi %div3A, %sub3A : i32
      %select_n3A = arith.select %and3A, %sub3A_49, %div3A : i32
      %mul3A_50 = arith.constant 2 : i32
      %mul3A_51 = arith.muli %add3A_28, %mul3A_50 : i32
      %add3A_52 = arith.addi %select_n3A, %mul3A_51 : i32
      %dma_start3A = arith.constant 0 : i32
      %dma_start3A_53 = arith.constant 0 : i32
      %dma_start3A_54 = tpu.memref_slice %arg3[%add3A_52, %dma_start3A, %dma_start3A_53] : memref<8000x1x40xi32, #tpu.memory_space<hbm>> -> memref<1x1x40xi32, #tpu.memory_space<hbm>>
      %dma_start3A_55 = tpu.memref_squeeze %dma_start3A_54 : memref<1x1x40xi32, #tpu.memory_space<hbm>> -> memref<1x40xi32, #tpu.memory_space<hbm>>
      %dma_start3A_56 = arith.constant 0 : i32
      %dma_start3A_57 = arith.constant 0 : i32
      %dma_start3A_58 = tpu.memref_slice %arg3[%add3A_52, %dma_start3A_56, %dma_start3A_57] : memref<8000x1x40xi32, #tpu.memory_space<hbm>> -> memref<1x1x40xi32, #tpu.memory_space<hbm>>
      %dma_start3A_59 = tpu.memref_squeeze %dma_start3A_58 : memref<1x1x40xi32, #tpu.memory_space<hbm>> -> memref<1x40xi32, #tpu.memory_space<hbm>>
      tpu.enqueue_dma source(%dma_start3A_59 : memref<1x40xi32, #tpu.memory_space<hbm>>) target(%arg7 : memref<1x40xi32, #tpu.memory_space<vmem>>) target_semaphore(%arg11 : memref<!tpu.dma_semaphore, #tpu.memory_space<semaphore_mem>>)
      %dma_start3A_60 = arith.constant 0 : i32
      %dma_start3A_61 = tpu.memref_slice %arg2[%add3A_31, %dma_start3A_60] : memref<320000x128xf32, #tpu.memory_space<hbm>> -> memref<40x128xf32, #tpu.memory_space<hbm>>
      %dma_start3A_62 = arith.constant 0 : i32
      %dma_start3A_63 = tpu.memref_slice %arg2[%add3A_31, %dma_start3A_62] : memref<320000x128xf32, #tpu.memory_space<hbm>> -> memref<40x128xf32, #tpu.memory_space<hbm>>
      tpu.enqueue_dma source(%dma_start3A_63 : memref<40x128xf32, #tpu.memory_space<hbm>>) target(%arg5 : memref<40x128xf32, #tpu.memory_space<vmem>>) target_semaphore(%arg9 : memref<!tpu.dma_semaphore, #tpu.memory_space<semaphore_mem>>)
      %add3A_64 = arith.constant 1 : i32
      %add3A_65 = arith.addi %add3A_52, %add3A_64 : i32
      %dma_start3A_66 = arith.constant 0 : i32
      %dma_start3A_67 = arith.constant 0 : i32
      %dma_start3A_68 = tpu.memref_slice %arg3[%add3A_65, %dma_start3A_66, %dma_start3A_67] : memref<8000x1x40xi32, #tpu.memory_space<hbm>> -> memref<1x1x40xi32, #tpu.memory_space<hbm>>
      %dma_start3A_69 = tpu.memref_squeeze %dma_start3A_68 : memref<1x1x40xi32, #tpu.memory_space<hbm>> -> memref<1x40xi32, #tpu.memory_space<hbm>>
      %dma_start3A_70 = arith.constant 0 : i32
      %dma_start3A_71 = arith.constant 0 : i32
      %dma_start3A_72 = tpu.memref_slice %arg3[%add3A_65, %dma_start3A_70, %dma_start3A_71] : memref<8000x1x40xi32, #tpu.memory_space<hbm>> -> memref<1x1x40xi32, #tpu.memory_space<hbm>>
      %dma_start3A_73 = tpu.memref_squeeze %dma_start3A_72 : memref<1x1x40xi32, #tpu.memory_space<hbm>> -> memref<1x40xi32, #tpu.memory_space<hbm>>
      tpu.enqueue_dma source(%dma_start3A_73 : memref<1x40xi32, #tpu.memory_space<hbm>>) target(%arg8 : memref<1x40xi32, #tpu.memory_space<vmem>>) target_semaphore(%arg12 : memref<!tpu.dma_semaphore, #tpu.memory_space<semaphore_mem>>)
      %add3A_74 = arith.constant 40 : i32
      %add3A_75 = arith.addi %add3A_31, %add3A_74 : i32
      %dma_start3A_76 = arith.constant 0 : i32
      %dma_start3A_77 = tpu.memref_slice %arg2[%add3A_75, %dma_start3A_76] : memref<320000x128xf32, #tpu.memory_space<hbm>> -> memref<40x128xf32, #tpu.memory_space<hbm>>
      %dma_start3A_78 = arith.constant 0 : i32
      %dma_start3A_79 = tpu.memref_slice %arg2[%add3A_75, %dma_start3A_78] : memref<320000x128xf32, #tpu.memory_space<hbm>> -> memref<40x128xf32, #tpu.memory_space<hbm>>
      tpu.enqueue_dma source(%dma_start3A_79 : memref<40x128xf32, #tpu.memory_space<hbm>>) target(%arg6 : memref<40x128xf32, #tpu.memory_space<vmem>>) target_semaphore(%arg10 : memref<!tpu.dma_semaphore, #tpu.memory_space<semaphore_mem>>)
      %dma_wait3A = arith.constant 0 : i32
      %dma_wait3A_80 = arith.constant 0 : i32
      %dma_wait3A_81 = tpu.memref_slice %arg3[%add3A_52, %dma_wait3A, %dma_wait3A_80] : memref<8000x1x40xi32, #tpu.memory_space<hbm>> -> memref<1x1x40xi32, #tpu.memory_space<hbm>>
      %dma_wait3A_82 = tpu.memref_squeeze %dma_wait3A_81 : memref<1x1x40xi32, #tpu.memory_space<hbm>> -> memref<1x40xi32, #tpu.memory_space<hbm>>
      %dma_wait3A_83 = arith.constant 0 : i32
      %dma_wait3A_84 = arith.constant 0 : i32
      %dma_wait3A_85 = tpu.memref_slice %arg3[%add3A_52, %dma_wait3A_83, %dma_wait3A_84] : memref<8000x1x40xi32, #tpu.memory_space<hbm>> -> memref<1x1x40xi32, #tpu.memory_space<hbm>>
      %dma_wait3A_86 = tpu.memref_squeeze %dma_wait3A_85 : memref<1x1x40xi32, #tpu.memory_space<hbm>> -> memref<1x40xi32, #tpu.memory_space<hbm>>
      tpu.wait_dma2 semaphore(%arg11 : memref<!tpu.dma_semaphore, #tpu.memory_space<semaphore_mem>>) src(%dma_wait3A_86 : memref<1x40xi32, #tpu.memory_space<hbm>>) dst(%arg7 : memref<1x40xi32, #tpu.memory_space<vmem>>)
      %dma_wait3A_87 = arith.constant 0 : i32
      %dma_wait3A_88 = tpu.memref_slice %arg2[%add3A_31, %dma_wait3A_87] : memref<320000x128xf32, #tpu.memory_space<hbm>> -> memref<40x128xf32, #tpu.memory_space<hbm>>
      %dma_wait3A_89 = arith.constant 0 : i32
      %dma_wait3A_90 = tpu.memref_slice %arg2[%add3A_31, %dma_wait3A_89] : memref<320000x128xf32, #tpu.memory_space<hbm>> -> memref<40x128xf32, #tpu.memory_space<hbm>>
      tpu.wait_dma2 semaphore(%arg9 : memref<!tpu.dma_semaphore, #tpu.memory_space<semaphore_mem>>) src(%dma_wait3A_90 : memref<40x128xf32, #tpu.memory_space<hbm>>) dst(%arg5 : memref<40x128xf32, #tpu.memory_space<vmem>>)
      %run_scoped3A = arith.constant 0 : i32
      "tpu.region"() ({
        %run_scoped3A_104 = tpu.sem_alloc : memref<!tpu.dma_semaphore, #tpu.memory_space<semaphore_mem>>
        %dma_start3A_105 = arith.constant 0 : i32
        %dma_start3A_106 = tpu.memref_slice %arg7[%run_scoped3A, %dma_start3A_105] : memref<1x40xi32, #tpu.memory_space<vmem>> -> memref<1x40xi32, #tpu.memory_space<vmem>>
        %dma_start3A_107 = tpu.memref_squeeze %dma_start3A_106 : memref<1x40xi32, #tpu.memory_space<vmem>> -> memref<40xi32, #tpu.memory_space<vmem>>
        %dma_start3A_108 = arith.constant 0 : i32
        %dma_start3A_109 = arith.constant 0 : i32
        %dma_start3A_110 = tpu.memref_slice %arg13[%dma_start3A_108, %dma_start3A_109] : memref<10240x128xf32, #tpu.memory_space<vmem_shared>> -> memref<10240x128xf32, #tpu.memory_space<vmem_shared>>
        tpu.enqueue_indirect_dma source(%arg5 : memref<40x128xf32, #tpu.memory_space<vmem>>) target(%dma_start3A_110 : memref<10240x128xf32, #tpu.memory_space<vmem_shared>>) offsets(%dma_start3A_107 : memref<40xi32, #tpu.memory_space<vmem>>) semaphore(%run_scoped3A_104 : memref<!tpu.dma_semaphore, #tpu.memory_space<semaphore_mem>>) {add = true}
        %dma_wait3A_111 = arith.constant 0 : i32
        %dma_wait3A_112 = tpu.memref_slice %arg7[%run_scoped3A, %dma_wait3A_111] : memref<1x40xi32, #tpu.memory_space<vmem>> -> memref<1x40xi32, #tpu.memory_space<vmem>>
        %dma_wait3A_113 = tpu.memref_squeeze %dma_wait3A_112 : memref<1x40xi32, #tpu.memory_space<vmem>> -> memref<40xi32, #tpu.memory_space<vmem>>
        %dma_wait3A_114 = arith.constant 0 : i32
        %dma_wait3A_115 = arith.constant 0 : i32
        %dma_wait3A_116 = tpu.memref_slice %arg13[%dma_wait3A_114, %dma_wait3A_115] : memref<10240x128xf32, #tpu.memory_space<vmem_shared>> -> memref<10240x128xf32, #tpu.memory_space<vmem_shared>>
        tpu.wait_indirect_dma semaphore(%run_scoped3A_104 : memref<!tpu.dma_semaphore, #tpu.memory_space<semaphore_mem>>) src(%arg5 : memref<40x128xf32, #tpu.memory_space<vmem>>) dst(%dma_wait3A_116 : memref<10240x128xf32, #tpu.memory_space<vmem_shared>>)
        tpu.yield
      }) : () -> ()
      %dma_wait3A_91 = arith.constant 0 : i32
      %dma_wait3A_92 = arith.constant 0 : i32
      %dma_wait3A_93 = tpu.memref_slice %arg3[%add3A_65, %dma_wait3A_91, %dma_wait3A_92] : memref<8000x1x40xi32, #tpu.memory_space<hbm>> -> memref<1x1x40xi32, #tpu.memory_space<hbm>>
      %dma_wait3A_94 = tpu.memref_squeeze %dma_wait3A_93 : memref<1x1x40xi32, #tpu.memory_space<hbm>> -> memref<1x40xi32, #tpu.memory_space<hbm>>
      %dma_wait3A_95 = arith.constant 0 : i32
      %dma_wait3A_96 = arith.constant 0 : i32
      %dma_wait3A_97 = tpu.memref_slice %arg3[%add3A_65, %dma_wait3A_95, %dma_wait3A_96] : memref<8000x1x40xi32, #tpu.memory_space<hbm>> -> memref<1x1x40xi32, #tpu.memory_space<hbm>>
      %dma_wait3A_98 = tpu.memref_squeeze %dma_wait3A_97 : memref<1x1x40xi32, #tpu.memory_space<hbm>> -> memref<1x40xi32, #tpu.memory_space<hbm>>
      tpu.wait_dma2 semaphore(%arg12 : memref<!tpu.dma_semaphore, #tpu.memory_space<semaphore_mem>>) src(%dma_wait3A_98 : memref<1x40xi32, #tpu.memory_space<hbm>>) dst(%arg8 : memref<1x40xi32, #tpu.memory_space<vmem>>)
      %dma_wait3A_99 = arith.constant 0 : i32
      %dma_wait3A_100 = tpu.memref_slice %arg2[%add3A_75, %dma_wait3A_99] : memref<320000x128xf32, #tpu.memory_space<hbm>> -> memref<40x128xf32, #tpu.memory_space<hbm>>
      %dma_wait3A_101 = arith.constant 0 : i32
      %dma_wait3A_102 = tpu.memref_slice %arg2[%add3A_75, %dma_wait3A_101] : memref<320000x128xf32, #tpu.memory_space<hbm>> -> memref<40x128xf32, #tpu.memory_space<hbm>>
      tpu.wait_dma2 semaphore(%arg10 : memref<!tpu.dma_semaphore, #tpu.memory_space<semaphore_mem>>) src(%dma_wait3A_102 : memref<40x128xf32, #tpu.memory_space<hbm>>) dst(%arg6 : memref<40x128xf32, #tpu.memory_space<vmem>>)
      %run_scoped3A_103 = arith.constant 0 : i32
      "tpu.region"() ({
        %run_scoped3A_104 = tpu.sem_alloc : memref<!tpu.dma_semaphore, #tpu.memory_space<semaphore_mem>>
        %dma_start3A_105 = arith.constant 0 : i32
        %dma_start3A_106 = tpu.memref_slice %arg8[%run_scoped3A_103, %dma_start3A_105] : memref<1x40xi32, #tpu.memory_space<vmem>> -> memref<1x40xi32, #tpu.memory_space<vmem>>
        %dma_start3A_107 = tpu.memref_squeeze %dma_start3A_106 : memref<1x40xi32, #tpu.memory_space<vmem>> -> memref<40xi32, #tpu.memory_space<vmem>>
        %dma_start3A_108 = arith.constant 0 : i32
        %dma_start3A_109 = arith.constant 0 : i32
        %dma_start3A_110 = tpu.memref_slice %arg13[%dma_start3A_108, %dma_start3A_109] : memref<10240x128xf32, #tpu.memory_space<vmem_shared>> -> memref<10240x128xf32, #tpu.memory_space<vmem_shared>>
        tpu.enqueue_indirect_dma source(%arg6 : memref<40x128xf32, #tpu.memory_space<vmem>>) target(%dma_start3A_110 : memref<10240x128xf32, #tpu.memory_space<vmem_shared>>) offsets(%dma_start3A_107 : memref<40xi32, #tpu.memory_space<vmem>>) semaphore(%run_scoped3A_104 : memref<!tpu.dma_semaphore, #tpu.memory_space<semaphore_mem>>) {add = true}
        %dma_wait3A_111 = arith.constant 0 : i32
        %dma_wait3A_112 = tpu.memref_slice %arg8[%run_scoped3A_103, %dma_wait3A_111] : memref<1x40xi32, #tpu.memory_space<vmem>> -> memref<1x40xi32, #tpu.memory_space<vmem>>
        %dma_wait3A_113 = tpu.memref_squeeze %dma_wait3A_112 : memref<1x40xi32, #tpu.memory_space<vmem>> -> memref<40xi32, #tpu.memory_space<vmem>>
        %dma_wait3A_114 = arith.constant 0 : i32
        %dma_wait3A_115 = arith.constant 0 : i32
        %dma_wait3A_116 = tpu.memref_slice %arg13[%dma_wait3A_114, %dma_wait3A_115] : memref<10240x128xf32, #tpu.memory_space<vmem_shared>> -> memref<10240x128xf32, #tpu.memory_space<vmem_shared>>
        tpu.wait_indirect_dma semaphore(%run_scoped3A_104 : memref<!tpu.dma_semaphore, #tpu.memory_space<semaphore_mem>>) src(%arg6 : memref<40x128xf32, #tpu.memory_space<vmem>>) dst(%dma_wait3A_116 : memref<10240x128xf32, #tpu.memory_space<vmem_shared>>)
        tpu.yield
      }) : () -> ()
    }
    %scan3A_17 = arith.constant 125 : i32
    %barrier3A_18 = arith.constant 0 : index
    tpu.barrier barrier_id(%barrier3A_18)
    %scan3A_19 = arith.constant 0 : i32
    %scan3A_20 = arith.constant 16 : i32
    %scan3A_21 = arith.addi %scan3A_19, %scan3A_20 : i32
    %scan3A_22 = arith.constant 1 : i32
    scf.for %scan3A_24 = %scan3A_19 to %scan3A_21 step %scan3A_22  : i32 {
      %mul3A_25 = arith.constant 40 : i32
      %mul3A_26 = arith.muli %scan3A_24, %mul3A_25 : i32
      %add3A_27 = arith.constant 0 : i32
      %add3A_28 = arith.addi %add3A_27, %mul3A_26 : i32
      %mul3A_29 = arith.constant 640 : i32
      %mul3A_30 = arith.muli %arg1, %mul3A_29 : i32
      %add3A_31 = arith.addi %mul3A_30, %add3A_28 : i32
      "tpu.region"() ({
        %run_scoped3A = tpu.sem_alloc : memref<!tpu.dma_semaphore, #tpu.memory_space<semaphore_mem>>
        %dma_start3A = arith.constant 0 : i32
        %dma_start3A_35 = tpu.memref_slice %arg13[%add3A_31, %dma_start3A] : memref<10240x128xf32, #tpu.memory_space<vmem_shared>> -> memref<40x128xf32, #tpu.memory_space<vmem_shared>>
        %dma_start3A_36 = arith.constant 0 : i32
        %dma_start3A_37 = tpu.memref_slice %arg13[%add3A_31, %dma_start3A_36] : memref<10240x128xf32, #tpu.memory_space<vmem_shared>> -> memref<40x128xf32, #tpu.memory_space<vmem_shared>>
        tpu.enqueue_dma source(%dma_start3A_37 : memref<40x128xf32, #tpu.memory_space<vmem_shared>>) target(%arg5 : memref<40x128xf32, #tpu.memory_space<vmem>>) target_semaphore(%run_scoped3A : memref<!tpu.dma_semaphore, #tpu.memory_space<semaphore_mem>>)
        %dma_wait3A = arith.constant 0 : i32
        %dma_wait3A_38 = tpu.memref_slice %arg13[%add3A_31, %dma_wait3A] : memref<10240x128xf32, #tpu.memory_space<vmem_shared>> -> memref<40x128xf32, #tpu.memory_space<vmem_shared>>
        %dma_wait3A_39 = arith.constant 0 : i32
        %dma_wait3A_40 = tpu.memref_slice %arg13[%add3A_31, %dma_wait3A_39] : memref<10240x128xf32, #tpu.memory_space<vmem_shared>> -> memref<40x128xf32, #tpu.memory_space<vmem_shared>>
        tpu.wait_dma2 semaphore(%run_scoped3A : memref<!tpu.dma_semaphore, #tpu.memory_space<semaphore_mem>>) src(%dma_wait3A_40 : memref<40x128xf32, #tpu.memory_space<vmem_shared>>) dst(%arg5 : memref<40x128xf32, #tpu.memory_space<vmem>>)
        tpu.yield
      }) : () -> ()
      %mul3A_32 = arith.constant 640 : i32
      %mul3A_33 = arith.muli %arg1, %mul3A_32 : i32
      %add3A_34 = arith.addi %mul3A_33, %add3A_28 : i32
      "tpu.region"() ({
        %run_scoped3A = tpu.sem_alloc : memref<!tpu.dma_semaphore, #tpu.memory_space<semaphore_mem>>
        %dma_start3A = arith.constant 0 : i32
        %dma_start3A_35 = tpu.memref_slice %arg4[%arg0, %add3A_34, %dma_start3A] : memref<2x10240x128xf32, #tpu.memory_space<hbm>> -> memref<1x40x128xf32, #tpu.memory_space<hbm>>
        %dma_start3A_36 = tpu.memref_squeeze %dma_start3A_35 : memref<1x40x128xf32, #tpu.memory_space<hbm>> -> memref<40x128xf32, #tpu.memory_space<hbm>>
        %dma_start3A_37 = arith.constant 0 : i32
        %dma_start3A_38 = tpu.memref_slice %arg4[%arg0, %add3A_34, %dma_start3A_37] : memref<2x10240x128xf32, #tpu.memory_space<hbm>> -> memref<1x40x128xf32, #tpu.memory_space<hbm>>
        %dma_start3A_39 = tpu.memref_squeeze %dma_start3A_38 : memref<1x40x128xf32, #tpu.memory_space<hbm>> -> memref<40x128xf32, #tpu.memory_space<hbm>>
        tpu.enqueue_dma source(%arg5 : memref<40x128xf32, #tpu.memory_space<vmem>>) target(%dma_start3A_39 : memref<40x128xf32, #tpu.memory_space<hbm>>) target_semaphore(%run_scoped3A : memref<!tpu.dma_semaphore, #tpu.memory_space<semaphore_mem>>)
        %dma_wait3A = arith.constant 0 : i32
        %dma_wait3A_40 = tpu.memref_slice %arg4[%arg0, %add3A_34, %dma_wait3A] : memref<2x10240x128xf32, #tpu.memory_space<hbm>> -> memref<1x40x128xf32, #tpu.memory_space<hbm>>
        %dma_wait3A_41 = tpu.memref_squeeze %dma_wait3A_40 : memref<1x40x128xf32, #tpu.memory_space<hbm>> -> memref<40x128xf32, #tpu.memory_space<hbm>>
        %dma_wait3A_42 = arith.constant 0 : i32
        %dma_wait3A_43 = tpu.memref_slice %arg4[%arg0, %add3A_34, %dma_wait3A_42] : memref<2x10240x128xf32, #tpu.memory_space<hbm>> -> memref<1x40x128xf32, #tpu.memory_space<hbm>>
        %dma_wait3A_44 = tpu.memref_squeeze %dma_wait3A_43 : memref<1x40x128xf32, #tpu.memory_space<hbm>> -> memref<40x128xf32, #tpu.memory_space<hbm>>
        tpu.wait_dma2 semaphore(%run_scoped3A : memref<!tpu.dma_semaphore, #tpu.memory_space<semaphore_mem>>) src(%arg5 : memref<40x128xf32, #tpu.memory_space<vmem>>) dst(%dma_wait3A_44 : memref<40x128xf32, #tpu.memory_space<hbm>>)
        tpu.yield
      }) : () -> ()
    }
    %scan3A_23 = arith.constant 16 : i32
    return
  }
}

module attributes {stable_mosaic.version = 14 : i64} {
  func.func @_proj_body(%arg0: i32, %arg1: memref<2000x128xf32, #tpu.memory_space<vmem>>, %arg2: memref<128x128xf32, #tpu.memory_space<vmem>>, %arg3: memref<128x128xf32, #tpu.memory_space<vmem>>, %arg4: memref<2000x128xf32, #tpu.memory_space<vmem>>, %arg5: memref<2000x128xf32, #tpu.memory_space<vmem>>) attributes {dimension_semantics = [#tpu.dimension_semantics<arbitrary>], iteration_bounds = array<i64: 5>, scalar_prefetch = 0 : i64, scratch_operands = 0 : i64, tpu.core_type = #tpu.core_type<tc>, window_params = [{transform_indices = @transform_0, window_bounds = array<i64: 2000, 128>}, {pipeline_mode = #tpu.pipeline_mode<synchronous>, transform_indices = @transform_1, window_bounds = array<i64: 128, 128>}, {pipeline_mode = #tpu.pipeline_mode<synchronous>, transform_indices = @transform_2, window_bounds = array<i64: 128, 128>}, {transform_indices = @transform_3, window_bounds = array<i64: 2000, 128>}, {transform_indices = @transform_4, window_bounds = array<i64: 2000, 128>}]} {
    %get3A = arith.constant 0 : index
    %get3A_0 = arith.constant 0 : index
    %get3A_1 = vector.load %arg1[%get3A, %get3A_0] : memref<2000x128xf32, #tpu.memory_space<vmem>>, vector<2000x128xf32>
    %get3A_2 = arith.constant 0 : index
    %get3A_3 = arith.constant 0 : index
    %get3A_4 = vector.load %arg2[%get3A_2, %get3A_3] : memref<128x128xf32, #tpu.memory_space<vmem>>, vector<128x128xf32>
    %dot_general3A = arith.constant dense<0.000000e+00> : vector<2000x128xf32>
    %dot_general3A_5 = tpu.matmul %get3A_1, %get3A_4, %dot_general3A {dimension_numbers = #tpu.dot_dimension_numbers<[1], [0], [0], [1], [0, 0, 1, 1], [], []>, transpose_lhs_hint = false} : vector<2000x128xf32>, vector<128x128xf32>, vector<2000x128xf32> -> vector<2000x128xf32>
    %swap3A = arith.constant 0 : index
    %swap3A_6 = arith.constant 0 : index
    %swap3A_7 = vector.load %arg4[%swap3A, %swap3A_6] : memref<2000x128xf32, #tpu.memory_space<vmem>>, vector<2000x128xf32>
    tpu.vector_store %arg4[%swap3A, %swap3A_6], %dot_general3A_5 {strides = array<i32>} : memref<2000x128xf32, #tpu.memory_space<vmem>>, vector<2000x128xf32>,
    %get3A_8 = arith.constant 0 : index
    %get3A_9 = arith.constant 0 : index
    %get3A_10 = vector.load %arg3[%get3A_8, %get3A_9] : memref<128x128xf32, #tpu.memory_space<vmem>>, vector<128x128xf32>
    %dot_general3A_11 = arith.constant dense<0.000000e+00> : vector<2000x128xf32>
    %dot_general3A_12 = tpu.matmul %get3A_1, %get3A_10, %dot_general3A_11 {dimension_numbers = #tpu.dot_dimension_numbers<[1], [0], [0], [1], [0, 0, 1, 1], [], []>, transpose_lhs_hint = false} : vector<2000x128xf32>, vector<128x128xf32>, vector<2000x128xf32> -> vector<2000x128xf32>
    %swap3A_13 = arith.constant 0 : index
    %swap3A_14 = arith.constant 0 : index
    %swap3A_15 = vector.load %arg5[%swap3A_13, %swap3A_14] : memref<2000x128xf32, #tpu.memory_space<vmem>>, vector<2000x128xf32>
    tpu.vector_store %arg5[%swap3A_13, %swap3A_14], %dot_general3A_12 {strides = array<i32>} : memref<2000x128xf32, #tpu.memory_space<vmem>>, vector<2000x128xf32>,
    return
  }
  func.func @transform_0(%arg0: i32) -> (i32, i32) {
    %c0_i32 = arith.constant 0 : i32
    %c0_i32_0 = arith.constant 0 : i32
    return %arg0, %c0_i32 : i32, i32
  }
  func.func @transform_1(%arg0: i32) -> (i32, i32) {
    %c0_i32 = arith.constant 0 : i32
    %c0_i32_0 = arith.constant 0 : i32
    %c0_i32_1 = arith.constant 0 : i32
    return %c0_i32, %c0_i32_0 : i32, i32
  }
  func.func @transform_2(%arg0: i32) -> (i32, i32) {
    %c0_i32 = arith.constant 0 : i32
    %c0_i32_0 = arith.constant 0 : i32
    %c0_i32_1 = arith.constant 0 : i32
    return %c0_i32, %c0_i32_0 : i32, i32
  }
  func.func @transform_3(%arg0: i32) -> (i32, i32) {
    %c0_i32 = arith.constant 0 : i32
    %c0_i32_0 = arith.constant 0 : i32
    return %arg0, %c0_i32 : i32, i32
  }
  func.func @transform_4(%arg0: i32) -> (i32, i32) {
    %c0_i32 = arith.constant 0 : i32
    %c0_i32_0 = arith.constant 0 : i32
    return %arg0, %c0_i32 : i32, i32
  }
}

module attributes {stable_mosaic.version = 14 : i64} {
  func.func @_edge_body(%arg0: i32, %arg1: memref<2000x128xf32, #tpu.memory_space<vmem>>, %arg2: memref<2000x128xf32, #tpu.memory_space<vmem>>, %arg3: memref<2000x128xf32, #tpu.memory_space<vmem>>, %arg4: memref<128x128xf32, #tpu.memory_space<vmem>>, %arg5: memref<128x128xf32, #tpu.memory_space<vmem>>, %arg6: memref<1x128xf32, #tpu.memory_space<vmem>>, %arg7: memref<1x128xf32, #tpu.memory_space<vmem>>, %arg8: memref<1x128xf32, #tpu.memory_space<vmem>>, %arg9: memref<2000x128xf32, #tpu.memory_space<vmem>>, %arg10: memref<2000x128xf32, #tpu.memory_space<vmem>>) attributes {dimension_semantics = [#tpu.dimension_semantics<arbitrary>], iteration_bounds = array<i64: 160>, scalar_prefetch = 0 : i64, scratch_operands = 0 : i64, tpu.core_type = #tpu.core_type<tc>, window_params = [{transform_indices = @transform_0, window_bounds = array<i64: 2000, 128>}, {transform_indices = @transform_1, window_bounds = array<i64: 2000, 128>}, {transform_indices = @transform_2, window_bounds = array<i64: 2000, 128>}, {pipeline_mode = #tpu.pipeline_mode<synchronous>, transform_indices = @transform_3, window_bounds = array<i64: 128, 128>}, {pipeline_mode = #tpu.pipeline_mode<synchronous>, transform_indices = @transform_4, window_bounds = array<i64: 128, 128>}, {pipeline_mode = #tpu.pipeline_mode<synchronous>, transform_indices = @transform_5, window_bounds = array<i64: 1, 128>}, {pipeline_mode = #tpu.pipeline_mode<synchronous>, transform_indices = @transform_6, window_bounds = array<i64: 1, 128>}, {pipeline_mode = #tpu.pipeline_mode<synchronous>, transform_indices = @transform_7, window_bounds = array<i64: 1, 128>}, {transform_indices = @transform_8, window_bounds = array<i64: 2000, 128>}, {transform_indices = @transform_9, window_bounds = array<i64: 2000, 128>}]} {
    %get3A = arith.constant 0 : index
    %get3A_0 = arith.constant 0 : index
    %get3A_1 = vector.load %arg1[%get3A, %get3A_0] : memref<2000x128xf32, #tpu.memory_space<vmem>>, vector<2000x128xf32>
    %get3A_2 = arith.constant 0 : index
    %get3A_3 = arith.constant 0 : index
    %get3A_4 = vector.load %arg4[%get3A_2, %get3A_3] : memref<128x128xf32, #tpu.memory_space<vmem>>, vector<128x128xf32>
    %dot_general3A = arith.constant dense<0.000000e+00> : vector<2000x128xf32>
    %dot_general3A_5 = tpu.matmul %get3A_1, %get3A_4, %dot_general3A {dimension_numbers = #tpu.dot_dimension_numbers<[1], [0], [0], [1], [0, 0, 1, 1], [], []>, transpose_lhs_hint = false} : vector<2000x128xf32>, vector<128x128xf32>, vector<2000x128xf32> -> vector<2000x128xf32>
    %get3A_6 = arith.constant 0 : index
    %get3A_7 = arith.constant 0 : index
    %get3A_8 = vector.load %arg2[%get3A_6, %get3A_7] : memref<2000x128xf32, #tpu.memory_space<vmem>>, vector<2000x128xf32>
    %add3A = arith.addf %dot_general3A_5, %get3A_8 : vector<2000x128xf32>
    %get3A_9 = arith.constant 0 : index
    %get3A_10 = arith.constant 0 : index
    %get3A_11 = vector.load %arg3[%get3A_9, %get3A_10] : memref<2000x128xf32, #tpu.memory_space<vmem>>, vector<2000x128xf32>
    %add3A_12 = arith.addf %add3A, %get3A_11 : vector<2000x128xf32>
    %get3A_13 = arith.constant 0 : index
    %get3A_14 = arith.constant 0 : index
    %get3A_15 = vector.load %arg6[%get3A_13, %get3A_14] : memref<1x128xf32, #tpu.memory_space<vmem>>, vector<1x128xf32>
    %add3A_16 = vector.broadcast %get3A_15 : vector<1x128xf32> to vector<2000x128xf32>
    %add3A_17 = arith.addf %add3A_12, %add3A_16 : vector<2000x128xf32>
    %logistic3A = arith.negf %add3A_17 : vector<2000x128xf32>
    %logistic3A_18 = math.exp %logistic3A : vector<2000x128xf32>
    %logistic3A_19 = arith.constant 1.000000e+00 : f32
    %logistic3A_20 = vector.broadcast %logistic3A_19 : f32 to vector<2000x128xf32>
    %logistic3A_21 = arith.addf %logistic3A_20, %logistic3A_18 : vector<2000x128xf32>
    %logistic3A_22 = arith.divf %logistic3A_20, %logistic3A_21 : vector<2000x128xf32>
    %mul3A = arith.mulf %add3A_17, %logistic3A_22 : vector<2000x128xf32>
    %get3A_23 = arith.constant 0 : index
    %get3A_24 = arith.constant 0 : index
    %get3A_25 = vector.load %arg5[%get3A_23, %get3A_24] : memref<128x128xf32, #tpu.memory_space<vmem>>, vector<128x128xf32>
    %dot_general3A_26 = arith.constant dense<0.000000e+00> : vector<2000x128xf32>
    %dot_general3A_27 = tpu.matmul %mul3A, %get3A_25, %dot_general3A_26 {dimension_numbers = #tpu.dot_dimension_numbers<[1], [0], [0], [1], [0, 0, 1, 1], [], []>, transpose_lhs_hint = false} : vector<2000x128xf32>, vector<128x128xf32>, vector<2000x128xf32> -> vector<2000x128xf32>
    %reduce_sum3A = arith.constant dense<0.000000e+00> : vector<2000xf32>
    %reduce_sum3A_28 = vector.multi_reduction <add>, %dot_general3A_27, %reduce_sum3A [1] : vector<2000x128xf32> to vector<2000xf32>
    %broadcast_in_dim3A = vector.shape_cast %reduce_sum3A_28 : vector<2000xf32> to vector<2000x1xf32>
    %div3A = arith.constant 1.280000e+02 : f32
    %div3A_29 = vector.broadcast %div3A : f32 to vector<2000x1xf32>
    %div3A_30 = arith.divf %broadcast_in_dim3A, %div3A_29 : vector<2000x1xf32>
    %sub3A = vector.broadcast %div3A_30 : vector<2000x1xf32> to vector<2000x128xf32>
    %sub3A_31 = arith.subf %dot_general3A_27, %sub3A : vector<2000x128xf32>
    %mul3A_32 = arith.mulf %sub3A_31, %sub3A_31 : vector<2000x128xf32>
    %reduce_sum3A_33 = arith.constant dense<0.000000e+00> : vector<2000xf32>
    %reduce_sum3A_34 = vector.multi_reduction <add>, %mul3A_32, %reduce_sum3A_33 [1] : vector<2000x128xf32> to vector<2000xf32>
    %broadcast_in_dim3A_35 = vector.shape_cast %reduce_sum3A_34 : vector<2000xf32> to vector<2000x1xf32>
    %div3A_36 = arith.constant 1.280000e+02 : f32
    %div3A_37 = vector.broadcast %div3A_36 : f32 to vector<2000x1xf32>
    %div3A_38 = arith.divf %broadcast_in_dim3A_35, %div3A_37 : vector<2000x1xf32>
    %add3A_39 = arith.constant 9.99999974E-6 : f32
    %add3A_40 = vector.broadcast %add3A_39 : f32 to vector<2000x1xf32>
    %add3A_41 = arith.addf %div3A_38, %add3A_40 : vector<2000x1xf32>
    %rsqrt3A = math.rsqrt %add3A_41 : vector<2000x1xf32>
    %mul3A_42 = vector.broadcast %rsqrt3A : vector<2000x1xf32> to vector<2000x128xf32>
    %mul3A_43 = arith.mulf %sub3A_31, %mul3A_42 : vector<2000x128xf32>
    %get3A_44 = arith.constant 0 : index
    %get3A_45 = arith.constant 0 : index
    %get3A_46 = vector.load %arg7[%get3A_44, %get3A_45] : memref<1x128xf32, #tpu.memory_space<vmem>>, vector<1x128xf32>
    %mul3A_47 = vector.broadcast %get3A_46 : vector<1x128xf32> to vector<2000x128xf32>
    %mul3A_48 = arith.mulf %mul3A_43, %mul3A_47 : vector<2000x128xf32>
    %get3A_49 = arith.constant 0 : index
    %get3A_50 = arith.constant 0 : index
    %get3A_51 = vector.load %arg8[%get3A_49, %get3A_50] : memref<1x128xf32, #tpu.memory_space<vmem>>, vector<1x128xf32>
    %add3A_52 = vector.broadcast %get3A_51 : vector<1x128xf32> to vector<2000x128xf32>
    %add3A_53 = arith.addf %mul3A_48, %add3A_52 : vector<2000x128xf32>
    %swap3A = arith.constant 0 : index
    %swap3A_54 = arith.constant 0 : index
    %swap3A_55 = vector.load %arg10[%swap3A, %swap3A_54] : memref<2000x128xf32, #tpu.memory_space<vmem>>, vector<2000x128xf32>
    tpu.vector_store %arg10[%swap3A, %swap3A_54], %add3A_53 {strides = array<i32>} : memref<2000x128xf32, #tpu.memory_space<vmem>>, vector<2000x128xf32>,
    %add3A_56 = arith.addf %get3A_1, %add3A_53 : vector<2000x128xf32>
    %swap3A_57 = arith.constant 0 : index
    %swap3A_58 = arith.constant 0 : index
    %swap3A_59 = vector.load %arg9[%swap3A_57, %swap3A_58] : memref<2000x128xf32, #tpu.memory_space<vmem>>, vector<2000x128xf32>
    tpu.vector_store %arg9[%swap3A_57, %swap3A_58], %add3A_56 {strides = array<i32>} : memref<2000x128xf32, #tpu.memory_space<vmem>>, vector<2000x128xf32>,
    return
  }
  func.func @transform_0(%arg0: i32) -> (i32, i32) {
    %c0_i32 = arith.constant 0 : i32
    %c0_i32_0 = arith.constant 0 : i32
    return %arg0, %c0_i32 : i32, i32
  }
  func.func @transform_1(%arg0: i32) -> (i32, i32) {
    %c0_i32 = arith.constant 0 : i32
    %c0_i32_0 = arith.constant 0 : i32
    return %arg0, %c0_i32 : i32, i32
  }
  func.func @transform_2(%arg0: i32) -> (i32, i32) {
    %c0_i32 = arith.constant 0 : i32
    %c0_i32_0 = arith.constant 0 : i32
    return %arg0, %c0_i32 : i32, i32
  }
  func.func @transform_3(%arg0: i32) -> (i32, i32) {
    %c0_i32 = arith.constant 0 : i32
    %c0_i32_0 = arith.constant 0 : i32
    %c0_i32_1 = arith.constant 0 : i32
    return %c0_i32, %c0_i32_0 : i32, i32
  }
  func.func @transform_4(%arg0: i32) -> (i32, i32) {
    %c0_i32 = arith.constant 0 : i32
    %c0_i32_0 = arith.constant 0 : i32
    %c0_i32_1 = arith.constant 0 : i32
    return %c0_i32, %c0_i32_0 : i32, i32
  }
  func.func @transform_5(%arg0: i32) -> (i32, i32) {
    %c0_i32 = arith.constant 0 : i32
    %c0_i32_0 = arith.constant 0 : i32
    %c0_i32_1 = arith.constant 0 : i32
    return %c0_i32, %c0_i32_0 : i32, i32
  }
  func.func @transform_6(%arg0: i32) -> (i32, i32) {
    %c0_i32 = arith.constant 0 : i32
    %c0_i32_0 = arith.constant 0 : i32
    %c0_i32_1 = arith.constant 0 : i32
    return %c0_i32, %c0_i32_0 : i32, i32
  }
  func.func @transform_7(%arg0: i32) -> (i32, i32) {
    %c0_i32 = arith.constant 0 : i32
    %c0_i32_0 = arith.constant 0 : i32
    %c0_i32_1 = arith.constant 0 : i32
    return %c0_i32, %c0_i32_0 : i32, i32
  }
  func.func @transform_8(%arg0: i32) -> (i32, i32) {
    %c0_i32 = arith.constant 0 : i32
    %c0_i32_0 = arith.constant 0 : i32
    return %arg0, %c0_i32 : i32, i32
  }
  func.func @transform_9(%arg0: i32) -> (i32, i32) {
    %c0_i32 = arith.constant 0 : i32
    %c0_i32_0 = arith.constant 0 : i32
    return %arg0, %c0_i32 : i32, i32
  }
}

module attributes {stable_mosaic.version = 14 : i64} {
  func.func @_node_body(%arg0: i32, %arg1: memref<2000x128xf32, #tpu.memory_space<vmem>>, %arg2: memref<2x2000x128xf32, #tpu.memory_space<vmem>>, %arg3: memref<2000x32xf32, #tpu.memory_space<vmem>>, %arg4: memref<128x128xf32, #tpu.memory_space<vmem>>, %arg5: memref<128x128xf32, #tpu.memory_space<vmem>>, %arg6: memref<1x128xf32, #tpu.memory_space<vmem>>, %arg7: memref<128x128xf32, #tpu.memory_space<vmem>>, %arg8: memref<1x128xf32, #tpu.memory_space<vmem>>, %arg9: memref<1x128xf32, #tpu.memory_space<vmem>>, %arg10: memref<2000x128xf32, #tpu.memory_space<vmem>>) attributes {dimension_semantics = [#tpu.dimension_semantics<arbitrary>], iteration_bounds = array<i64: 5>, scalar_prefetch = 0 : i64, scratch_operands = 0 : i64, tpu.core_type = #tpu.core_type<tc>, window_params = [{transform_indices = @transform_0, window_bounds = array<i64: 2000, 128>}, {transform_indices = @transform_1, window_bounds = array<i64: 2, 2000, 128>}, {transform_indices = @transform_2, window_bounds = array<i64: 2000, 32>}, {pipeline_mode = #tpu.pipeline_mode<synchronous>, transform_indices = @transform_3, window_bounds = array<i64: 128, 128>}, {pipeline_mode = #tpu.pipeline_mode<synchronous>, transform_indices = @transform_4, window_bounds = array<i64: 128, 128>}, {pipeline_mode = #tpu.pipeline_mode<synchronous>, transform_indices = @transform_5, window_bounds = array<i64: 1, 128>}, {pipeline_mode = #tpu.pipeline_mode<synchronous>, transform_indices = @transform_6, window_bounds = array<i64: 128, 128>}, {pipeline_mode = #tpu.pipeline_mode<synchronous>, transform_indices = @transform_7, window_bounds = array<i64: 1, 128>}, {pipeline_mode = #tpu.pipeline_mode<synchronous>, transform_indices = @transform_8, window_bounds = array<i64: 1, 128>}, {transform_indices = @transform_9, window_bounds = array<i64: 2000, 128>}]} {
    %get3A = arith.constant 0 : index
    %get3A_0 = arith.constant 0 : index
    %get3A_1 = vector.load %arg1[%get3A, %get3A_0] : memref<2000x128xf32, #tpu.memory_space<vmem>>, vector<2000x128xf32>
    %get3A_2 = arith.constant 0 : index
    %get3A_3 = arith.constant 0 : index
    %get3A_4 = arith.constant 0 : index
    %get3A_5 = vector.load %arg2[%get3A_2, %get3A_3, %get3A_4] : memref<2x2000x128xf32, #tpu.memory_space<vmem>>, vector<1x2000x128xf32>
    %get3A_6 = vector.shape_cast %get3A_5 : vector<1x2000x128xf32> to vector<2000x128xf32>
    %get3A_7 = arith.constant 1 : index
    %get3A_8 = arith.constant 0 : index
    %get3A_9 = arith.constant 0 : index
    %get3A_10 = vector.load %arg2[%get3A_7, %get3A_8, %get3A_9] : memref<2x2000x128xf32, #tpu.memory_space<vmem>>, vector<1x2000x128xf32>
    %get3A_11 = vector.shape_cast %get3A_10 : vector<1x2000x128xf32> to vector<2000x128xf32>
    %add3A = arith.addf %get3A_6, %get3A_11 : vector<2000x128xf32>
    %get3A_12 = arith.constant 0 : index
    %get3A_13 = arith.constant 0 : index
    %get3A_14 = vector.load %arg3[%get3A_12, %get3A_13] : memref<2000x32xf32, #tpu.memory_space<vmem>>, vector<2000x32xf32>
    %reduce_sum3A = arith.constant dense<0.000000e+00> : vector<2000xf32>
    %reduce_sum3A_15 = vector.multi_reduction <add>, %get3A_14, %reduce_sum3A [1] : vector<2000x32xf32> to vector<2000xf32>
    %broadcast_in_dim3A = vector.shape_cast %reduce_sum3A_15 : vector<2000xf32> to vector<2000x1xf32>
    %max3A = arith.constant 1.000000e+00 : f32
    %max3A_16 = vector.broadcast %max3A : f32 to vector<2000x1xf32>
    %max3A_17 = arith.maximumf %broadcast_in_dim3A, %max3A_16 : vector<2000x1xf32>
    %div3A = vector.broadcast %max3A_17 : vector<2000x1xf32> to vector<2000x128xf32>
    %div3A_18 = arith.divf %add3A, %div3A : vector<2000x128xf32>
    %get3A_19 = arith.constant 0 : index
    %get3A_20 = arith.constant 0 : index
    %get3A_21 = vector.load %arg4[%get3A_19, %get3A_20] : memref<128x128xf32, #tpu.memory_space<vmem>>, vector<128x128xf32>
    %dot_general3A = arith.constant dense<0.000000e+00> : vector<2000x128xf32>
    %dot_general3A_22 = tpu.matmul %get3A_1, %get3A_21, %dot_general3A {dimension_numbers = #tpu.dot_dimension_numbers<[1], [0], [0], [1], [0, 0, 1, 1], [], []>, transpose_lhs_hint = false} : vector<2000x128xf32>, vector<128x128xf32>, vector<2000x128xf32> -> vector<2000x128xf32>
    %get3A_23 = arith.constant 0 : index
    %get3A_24 = arith.constant 0 : index
    %get3A_25 = vector.load %arg5[%get3A_23, %get3A_24] : memref<128x128xf32, #tpu.memory_space<vmem>>, vector<128x128xf32>
    %dot_general3A_26 = arith.constant dense<0.000000e+00> : vector<2000x128xf32>
    %dot_general3A_27 = tpu.matmul %div3A_18, %get3A_25, %dot_general3A_26 {dimension_numbers = #tpu.dot_dimension_numbers<[1], [0], [0], [1], [0, 0, 1, 1], [], []>, transpose_lhs_hint = false} : vector<2000x128xf32>, vector<128x128xf32>, vector<2000x128xf32> -> vector<2000x128xf32>
    %add3A_28 = arith.addf %dot_general3A_22, %dot_general3A_27 : vector<2000x128xf32>
    %get3A_29 = arith.constant 0 : index
    %get3A_30 = arith.constant 0 : index
    %get3A_31 = vector.load %arg6[%get3A_29, %get3A_30] : memref<1x128xf32, #tpu.memory_space<vmem>>, vector<1x128xf32>
    %add3A_32 = vector.broadcast %get3A_31 : vector<1x128xf32> to vector<2000x128xf32>
    %add3A_33 = arith.addf %add3A_28, %add3A_32 : vector<2000x128xf32>
    %logistic3A = arith.negf %add3A_33 : vector<2000x128xf32>
    %logistic3A_34 = math.exp %logistic3A : vector<2000x128xf32>
    %logistic3A_35 = arith.constant 1.000000e+00 : f32
    %logistic3A_36 = vector.broadcast %logistic3A_35 : f32 to vector<2000x128xf32>
    %logistic3A_37 = arith.addf %logistic3A_36, %logistic3A_34 : vector<2000x128xf32>
    %logistic3A_38 = arith.divf %logistic3A_36, %logistic3A_37 : vector<2000x128xf32>
    %mul3A = arith.mulf %add3A_33, %logistic3A_38 : vector<2000x128xf32>
    %get3A_39 = arith.constant 0 : index
    %get3A_40 = arith.constant 0 : index
    %get3A_41 = vector.load %arg7[%get3A_39, %get3A_40] : memref<128x128xf32, #tpu.memory_space<vmem>>, vector<128x128xf32>
    %dot_general3A_42 = arith.constant dense<0.000000e+00> : vector<2000x128xf32>
    %dot_general3A_43 = tpu.matmul %mul3A, %get3A_41, %dot_general3A_42 {dimension_numbers = #tpu.dot_dimension_numbers<[1], [0], [0], [1], [0, 0, 1, 1], [], []>, transpose_lhs_hint = false} : vector<2000x128xf32>, vector<128x128xf32>, vector<2000x128xf32> -> vector<2000x128xf32>
    %reduce_sum3A_44 = arith.constant dense<0.000000e+00> : vector<2000xf32>
    %reduce_sum3A_45 = vector.multi_reduction <add>, %dot_general3A_43, %reduce_sum3A_44 [1] : vector<2000x128xf32> to vector<2000xf32>
    %broadcast_in_dim3A_46 = vector.shape_cast %reduce_sum3A_45 : vector<2000xf32> to vector<2000x1xf32>
    %div3A_47 = arith.constant 1.280000e+02 : f32
    %div3A_48 = vector.broadcast %div3A_47 : f32 to vector<2000x1xf32>
    %div3A_49 = arith.divf %broadcast_in_dim3A_46, %div3A_48 : vector<2000x1xf32>
    %sub3A = vector.broadcast %div3A_49 : vector<2000x1xf32> to vector<2000x128xf32>
    %sub3A_50 = arith.subf %dot_general3A_43, %sub3A : vector<2000x128xf32>
    %mul3A_51 = arith.mulf %sub3A_50, %sub3A_50 : vector<2000x128xf32>
    %reduce_sum3A_52 = arith.constant dense<0.000000e+00> : vector<2000xf32>
    %reduce_sum3A_53 = vector.multi_reduction <add>, %mul3A_51, %reduce_sum3A_52 [1] : vector<2000x128xf32> to vector<2000xf32>
    %broadcast_in_dim3A_54 = vector.shape_cast %reduce_sum3A_53 : vector<2000xf32> to vector<2000x1xf32>
    %div3A_55 = arith.constant 1.280000e+02 : f32
    %div3A_56 = vector.broadcast %div3A_55 : f32 to vector<2000x1xf32>
    %div3A_57 = arith.divf %broadcast_in_dim3A_54, %div3A_56 : vector<2000x1xf32>
    %add3A_58 = arith.constant 9.99999974E-6 : f32
    %add3A_59 = vector.broadcast %add3A_58 : f32 to vector<2000x1xf32>
    %add3A_60 = arith.addf %div3A_57, %add3A_59 : vector<2000x1xf32>
    %rsqrt3A = math.rsqrt %add3A_60 : vector<2000x1xf32>
    %mul3A_61 = vector.broadcast %rsqrt3A : vector<2000x1xf32> to vector<2000x128xf32>
    %mul3A_62 = arith.mulf %sub3A_50, %mul3A_61 : vector<2000x128xf32>
    %get3A_63 = arith.constant 0 : index
    %get3A_64 = arith.constant 0 : index
    %get3A_65 = vector.load %arg8[%get3A_63, %get3A_64] : memref<1x128xf32, #tpu.memory_space<vmem>>, vector<1x128xf32>
    %mul3A_66 = vector.broadcast %get3A_65 : vector<1x128xf32> to vector<2000x128xf32>
    %mul3A_67 = arith.mulf %mul3A_62, %mul3A_66 : vector<2000x128xf32>
    %add3A_68 = arith.addf %get3A_1, %mul3A_67 : vector<2000x128xf32>
    %get3A_69 = arith.constant 0 : index
    %get3A_70 = arith.constant 0 : index
    %get3A_71 = vector.load %arg9[%get3A_69, %get3A_70] : memref<1x128xf32, #tpu.memory_space<vmem>>, vector<1x128xf32>
    %add3A_72 = vector.broadcast %get3A_71 : vector<1x128xf32> to vector<2000x128xf32>
    %add3A_73 = arith.addf %add3A_68, %add3A_72 : vector<2000x128xf32>
    %swap3A = arith.constant 0 : index
    %swap3A_74 = arith.constant 0 : index
    %swap3A_75 = vector.load %arg10[%swap3A, %swap3A_74] : memref<2000x128xf32, #tpu.memory_space<vmem>>, vector<2000x128xf32>
    tpu.vector_store %arg10[%swap3A, %swap3A_74], %add3A_73 {strides = array<i32>} : memref<2000x128xf32, #tpu.memory_space<vmem>>, vector<2000x128xf32>,
    return
  }
  func.func @transform_0(%arg0: i32) -> (i32, i32) {
    %c0_i32 = arith.constant 0 : i32
    %c0_i32_0 = arith.constant 0 : i32
    return %arg0, %c0_i32 : i32, i32
  }
  func.func @transform_1(%arg0: i32) -> (i32, i32, i32) {
    %c0_i32 = arith.constant 0 : i32
    %c0_i32_0 = arith.constant 0 : i32
    %c0_i32_1 = arith.constant 0 : i32
    return %c0_i32, %arg0, %c0_i32_0 : i32, i32, i32
  }
  func.func @transform_2(%arg0: i32) -> (i32, i32) {
    %c0_i32 = arith.constant 0 : i32
    %c0_i32_0 = arith.constant 0 : i32
    return %arg0, %c0_i32 : i32, i32
  }
  func.func @transform_3(%arg0: i32) -> (i32, i32) {
    %c0_i32 = arith.constant 0 : i32
    %c0_i32_0 = arith.constant 0 : i32
    %c0_i32_1 = arith.constant 0 : i32
    return %c0_i32, %c0_i32_0 : i32, i32
  }
  func.func @transform_4(%arg0: i32) -> (i32, i32) {
    %c0_i32 = arith.constant 0 : i32
    %c0_i32_0 = arith.constant 0 : i32
    %c0_i32_1 = arith.constant 0 : i32
    return %c0_i32, %c0_i32_0 : i32, i32
  }
  func.func @transform_5(%arg0: i32) -> (i32, i32) {
    %c0_i32 = arith.constant 0 : i32
    %c0_i32_0 = arith.constant 0 : i32
    %c0_i32_1 = arith.constant 0 : i32
    return %c0_i32, %c0_i32_0 : i32, i32
  }
  func.func @transform_6(%arg0: i32) -> (i32, i32) {
    %c0_i32 = arith.constant 0 : i32
    %c0_i32_0 = arith.constant 0 : i32
    %c0_i32_1 = arith.constant 0 : i32
    return %c0_i32, %c0_i32_0 : i32, i32
  }
  func.func @transform_7(%arg0: i32) -> (i32, i32) {
    %c0_i32 = arith.constant 0 : i32
    %c0_i32_0 = arith.constant 0 : i32
    %c0_i32_1 = arith.constant 0 : i32
    return %c0_i32, %c0_i32_0 : i32, i32
  }
  func.func @transform_8(%arg0: i32) -> (i32, i32) {
    %c0_i32 = arith.constant 0 : i32
    %c0_i32_0 = arith.constant 0 : i32
    %c0_i32_1 = arith.constant 0 : i32
    return %c0_i32, %c0_i32_0 : i32, i32
  }
  func.func @transform_9(%arg0: i32) -> (i32, i32) {
    %c0_i32 = arith.constant 0 : i32
    %c0_i32_0 = arith.constant 0 : i32
    return %arg0, %c0_i32 : i32, i32
  }
}

</mosaic_0001>

<sc_bundles>
// kernel: kernel.10.cloned.1.call-start
scs
__scs_entry_jumppad:
0x0: {  	(pc) =	sbr.rel $0x88, $3  }
0x1: {  	(tag) =	ssettag $0x0;
	lr =	simm.s32 $0x1  }
0x2: {  	[smem:$0x3F93] =	sst lr;
	_ =	strace $0xD0000000  }
0x3: {  	_ = 	snop  }
0x4: {  	_ = 	snop  }
0x5: {  	_ = 	snop  }
0x6: {  	_ = 	snop  }
0x7: {  	_ = 	snop  }
__scs_overlays_trampoline_lowered:
0x8: {  	[smem:$0x3FA2] =	sst s0  }
0x9: {  	[smem:$0x3FA3] =	sst s1  }
0xa: {  	[smem:$0x3FA4] =	sst s2  }
0xb: {  	[smem:$0x3FA5] =	sst s3  }
0xc: {  	[smem:$0x3FA6] =	sst s4  }
0xd: {  	[smem:$0x3FA7] =	sst s5  }
0xe: {  	[smem:$0x3FA8] =	sst s6  }
0xf: {  	[smem:$0x3FA9] =	sst s7  }
0x10: {  	[smem:$0x3FAA] =	sst s8  }
0x11: {  	[smem:$0x3FAB] =	sst s9;
	s0 =	simm.s32 @!p0 $0x0  }
0x12: {  	s1 =	sld [smem:$0x3F91];
	s0 =	simm.s32 @p0 $0x1  }
0x13: {  	[smem:$0x3FAC] =	sst s0;
	s0 =	simm.s32 @!p1 $0x0  }
0x14: {  	s2 =	sld [smem:$0x3F90];
	s0 =	simm.s32 @p1 $0x1  }
0x15: {  	[smem:$0x3FAD] =	sst s0;
	s0 =	simm.s32 @!p2 $0x0  }
0x16: {  	s3 =	sld [smem:$0x3FDB];
	s0 =	simm.s32 @p2 $0x1  }
0x17: {  	s4 =	simm.s32 $0x1BF5;
	[smem:$0x3FAF] =	sst s0  }
0x18: {  	s0 =	sld [smem:$0x3F92];
	_ =	swait.ge [sflag:s4], $0x0  }
0x19: {  	s7 =	sld [smem:$0x3F93]  }
0x1a: {  	s8 =	sadd.s32 $0xFFFFE003, lr  }
0x1b: {  	s9 =	sadd.s32 $0xFFFFFEF7, lr;
	s5 =	simm.s32 $0xFFFFFFFF;
	p2 =	slt.u32 s8, $0xFFFFF086  }
0x1c: {  	p1 =	slt.u32 s9, $0xF7A;
	s5 =	simm.s32 @!p2 $0x0  }
0x1d: {  	s5 =	simm.s32 @p1 $0x1;
	p0 =	seq.s32 s7, s2  }
0x1e: {  	s7 =	smul.u32 @!p0 $0xF7A, s2;
	p2 =	seq.s32 @!p0 s5, $0x0  }
0x1f: {  	s9 =	smul.u32 $0xF7A, s1;
	s8 =	simm.s32 @!p0 $0x1BF5;
	p2 =	por !p2, p0  }
0x20: {  	[sflag:s8] =	ssyncset.s32 @!p0 $0xFFFFF086;
	s6 =	sadd.s32 @!p0 s3, s7;
	s7 =	simm.s32 @!p0 $0x108  }
0x21: {  	s3 =	sadd.s32 s3, s9;
	s6 =	sadd.s32 @!p0 $0x88, s6;
	s7 =	simm.s32 @p2 $0x1082  }
0x22: {  	[simem:s7], [sflag:s8] =	dma.local @!p0 [hbm:s6], $0xF7A  }
0x23: {  	s9 =	sor.u32 $0xD0000000, s2;
	s6 =	simm.s32 $0x108;
	_ =	swait.ge @!p0 [sflag:s8], $0x0  }
0x24: {  	s3 =	sadd.s32 $0x88, s3;
	s6 =	simm.s32 @!p1 $0x1082;
	[sflag:s4] =	ssyncset.s32 $0xFFFFF086  }
0x25: {  	[simem:s6], [sflag:s4] =	dma.local [hbm:s3], $0xF7A  }
0x26: {  	[smem:$0x3F93] =	sst s1;
	(tag) =	ssettag s2;
	_ =	strace s9  }
0x27: {  	s1 =	sld [smem:$0x3FA3]  }
0x28: {  	s2 =	sld [smem:$0x3FA4]  }
0x29: {  	s4 =	sld [smem:$0x3FA6]  }
0x2a: {  	p0 =	seq.s32 s5, $0x0;
	s5 =	sld [smem:$0x3FA7]  }
0x2b: {  	s6 =	sld [smem:$0x3FA8]  }
0x2c: {  	s7 =	sld [smem:$0x3FA9]  }
0x2d: {  	s3 =	simm.s32 $0x108;
	s8 =	sld [smem:$0x3FAA]  }
0x2e: {  	s3 =	simm.s32 @!p0 $0x1082;
	s9 =	sld [smem:$0x3FAB]  }
0x2f: {  	lr =	sadd.s32 s0, s3;
	s0 =	sld [smem:$0x3FA2]  }
0x30: {  	s3 =	sld [smem:$0x3FA5]  }
0x31: {  	[smem:$0x3FAE] =	sst s10  }
0x32: {  	s10 =	sld [smem:$0x3FAC];
	_ =	sdelay $0x3  }
0x33: {  	p0 =	seq.s32 s10, $0x1;
	s10 =	sld [smem:$0x3FAE];
	_ =	sdelay $0x3  }
0x34: {  	[smem:$0x3FAE] =	sst s10  }
0x35: {  	s10 =	sld [smem:$0x3FAD];
	_ =	sdelay $0x3  }
0x36: {  	p1 =	seq.s32 s10, $0x1;
	s10 =	sld [smem:$0x3FAE];
	_ =	sdelay $0x3  }
0x37: {  	[smem:$0x3FAE] =	sst s10  }
0x38: {  	s10 =	sld [smem:$0x3FAF]  }
0x39: {  	_ = 	snop;
	(pc) =	sbr.ind lr, $3  }
0x3a: {  	_ = 	snop  }
0x3b: {  	_ = 	snop  }
0x3c: {  	p2 =	seq.s32 s10, $0x1;
	s10 =	sld [smem:$0x3FAE]  }
0x3d: {  	_ =	shalt  }
0x3e: {  	_ =	shalt  }
0x3f: {  	_ =	shalt  }
0x40: {  	_ =	shalt  }
0x41: {  	_ =	shalt  }
0x42: {  	_ =	shalt  }
0x43: {  	_ =	shalt  }
0x44: {  	_ =	shalt  }
0x45: {  	_ =	shalt  }
0x46: {  	_ =	shalt  }
0x47: {  	_ =	shalt  }
0x48: {  	_ =	shalt  }
0x49: {  	_ =	shalt  }
0x4a: {  	_ =	shalt  }
0x4b: {  	_ =	shalt  }
0x4c: {  	_ =	shalt  }
0x4d: {  	_ =	shalt  }
0x4e: {  	_ =	shalt  }
0x4f: {  	_ =	shalt  }
0x50: {  	_ =	shalt  }
0x51: {  	_ =	shalt  }
0x52: {  	_ =	shalt  }
0x53: {  	_ =	shalt  }
0x54: {  	_ =	shalt  }
0x55: {  	_ =	shalt  }
0x56: {  	_ =	shalt  }
0x57: {  	_ =	shalt  }
0x58: {  	_ =	shalt  }
0x59: {  	_ =	shalt  }
0x5a: {  	_ =	shalt  }
0x5b: {  	_ =	shalt  }
0x5c: {  	_ =	shalt  }
0x5d: {  	_ =	shalt  }
0x5e: {  	_ =	shalt  }
0x5f: {  	_ =	shalt  }
0x60: {  	_ =	shalt  }
0x61: {  	_ =	shalt  }
0x62: {  	_ =	shalt  }
0x63: {  	_ =	shalt  }
0x64: {  	_ =	shalt  }
0x65: {  	_ =	shalt  }
0x66: {  	_ =	shalt  }
0x67: {  	_ =	shalt  }
0x68: {  	_ =	shalt  }
0x69: {  	_ =	shalt  }
0x6a: {  	_ =	shalt  }
0x6b: {  	_ =	shalt  }
0x6c: {  	_ =	shalt  }
0x6d: {  	_ =	shalt  }
0x6e: {  	_ =	shalt  }
0x6f: {  	_ =	shalt  }
0x70: {  	_ =	shalt  }
0x71: {  	_ =	shalt  }
0x72: {  	_ =	shalt  }
0x73: {  	_ =	shalt  }
0x74: {  	_ =	shalt  }
0x75: {  	_ =	shalt  }
0x76: {  	_ =	shalt  }
0x77: {  	_ =	shalt  }
0x78: {  	_ =	shalt  }
0x79: {  	_ =	shalt  }
0x7a: {  	_ =	shalt  }
0x7b: {  	_ =	shalt  }
0x7c: {  	_ =	shalt  }
0x7d: {  	_ =	shalt  }
0x7e: {  	_ =	shalt  }
0x7f: {  	_ =	shalt  }
0x80: {  	_ =	shalt  }
0x81: {  	_ =	shalt  }
0x82: {  	_ =	shalt  }
0x83: {  	_ =	shalt  }
0x84: {  	_ =	shalt  }
0x85: {  	_ =	shalt  }
0x86: {  	_ =	shalt  }
0x87: {  	_ =	shalt  }
.Lfunc_end0:
.L_simem_size_0:
called_computation.1_lowered:
.L_overlay_start_0:
0x88: {  	s2 =	sld [smem:$0x3FD9]  }
0x89: {  	s3 =	sld [smem:$0x3FFE];
	_ =	sdelay $0x1  }
0x8a: {  	s1 =	srdreg.scid  }
0x8b: {  	s0 =	sand.u32 $0x1, s1  }
0x8c: {  	s16 =	sshll.u32 s0, $0xA;
	s2 =	sadd.s32 s3, s2  }
0x8d: {  	s2 =	sadd.s32 s2, s16  }
0x8e: {  	[smem:$0x3FBA] =	sst s2  }
0x8f: {  	_ = 	snop  }
0x90: {  	(tm) =	ssettm $0x1  }
0x91: {  	s17 =	sld [smem:$0x3FFB];
	_ =	sdelay $0x3  }
0x92: {  	_ =	strace s17  }
0x93: {  	s2 =	sld [smem:$0x3FFC];
	_ =	sdelay $0x3  }
0x94: {  	_ =	strace s2  }
0x95: {  	s2 =	sld [smem:$0x3FFD];
	_ =	sdelay $0x3  }
0x96: {  	_ =	strace s2  }
0x97: {  	_ =	strace $0x8FFFFFFF  }
0x98: {  	s18 =	sld [smem:$0x3FDB];
	_ =	sdelay $0x1  }
0x99: {  	s19 =	simm.s32 $_scs_section_size  }
0x9a: {  	s4 =	simm.s32 $_size__tile_overlayer_lowered;
	s5 =	simm.s32 $_tile_overlayer_lowered  }
0x9b: {  	s22 =	simm.s32 $0x1BFF;
	s21 =	sshll.u32 s5, $0x1;
	s2 =	sadd.s32 s19, s18  }
0x9c: {  	s6 =	simm.s32 $0x0;
	s20 =	sshll.u32 s4, $0x1;
	s4 =	sadd.s32 s21, s2  }
0x9d: {  	[timem:s6], [sflag:s22] =	dma.local [hbm:s4], s20  }
0x9e: {  	_ =	swait.ge [sflag:s22], s20  }
0x9f: {  	s3 =	ssub.s32 $0x0, s20;
	[sflag:s22] =	ssyncset.done $0x0  }
0xa0: {  	[sflag:s22] =	ssyncadd.s32 s3;
	_ =	sdelay $0x1  }
0xa1: {  	s23 =	simm.s32 $0x1B8B  }
0xa2: {  	_ =	swait.ge [sflag:s23], $0x1  }
0xa3: {  	[sflag:s23] =	ssyncset.done $0x0  }
0xa4: {  	s25 =	simm.s32 $0x1B8E;
	s24 =	sld [smem:$0x3FFE];
	[sflag:s23] =	ssyncadd.s32 $0xFFFFFFFF  }
0xa5: {  	s26 =	simm.s32 $execute0_lowered;
	[smem:$0x3FD2] =	sst s25  }
0xa6: {  	s4 =	sshll.u32 s26, $0x1;
	_ =	strace $0x80000049;
	[dreg:$0x1] =	wrdreg $0xFFFFFFFF  }
0xa7: {  	s28 =	simm.s32 $_size_execute0_lowered;
	s2 =	sadd.s32 s2, s4;
	[dreg:$0x0] =	wrdreg $0x0  }
0xa8: {  	s4 =	sshll.u32 s28, $0x1;
	[dreg:$0x2] =	wrdreg s2  }
0xa9: {  	[dreg:$0x3] =	wrdreg s4  }
0xaa: {  	[dreg:$0x4] =	wrdreg $0xC0  }
0xab: {  	_ =	task [dreg:s6], $0x5FFFF  }
0xac: {  	[dreg:$0x1] =	wrdreg $0xFFFFFFFF  }
0xad: {  	[dreg:$0x0] =	wrdreg $0x60  }
0xae: {  	[dreg:$0x2] =	wrdreg s24  }
0xaf: {  	[dreg:$0x3] =	wrdreg $0x29000  }
0xb0: {  	[dreg:$0x4] =	wrdreg $0x9  }
0xb1: {  	_ =	task.clear_ibuf [dreg:s6], $0x5FFFF;
	_ =	strace $0x90000049  }
0xb2: {  	s29 =	simm.s32 $0x9;
	_ =	strace $0x8000004B  }
0xb3: {  	_ =	swait.ge [sflag:s29], $0x1  }
0xb4: {  	[sflag:s29] =	ssyncadd.s32 $0xFFFFFFFF  }
0xb5: {  	_ =	strace $0x9000004B  }
0xb6: {  	_ =	sfence  }
0xb7: {  	s30 =	sld [smem:$0x0];
	_ =	sdelay $0x2  }
0xb8: {  	s31 =	sshll.u32 s1, $0xD;
	s1 =	sshrl.u32 s1, $0x2  }
0xb9: {  	s3 =	sand.u32 $0x4000, s31;
	s1 =	sadd.s32 s1, s30  }
0xba: {  	s0 =	sor.u32 s3, s0;
	s1 =	sshll.u32 s1, $0x11  }
0xbb: {  	s0 =	sor.u32 s1, s0  }
0xbc: {  	s0 =	sadd.s32 $0x8F2B, s0  }
0xbd: {  	[sflag:s0] =	ssyncadd.remote.s32 $0x1  }
0xbe: {  	_ =	sfence.sel $0xFFFF  }
0xbf: {  	[dreg:$0x0] =	wrdreg $0xFFFFFFFF;
	(pc) =	sbr.abs _section_cstart, $3  }
0xc0: {  	[dreg:$0x1] =	wrdreg $0xFFFFFFFF  }
0xc1: {  	_ =	task.clear_ibuf [dreg:s6], $0x2FFFF;
	_ =	strace $0x9FFFFFFF  }
0xc2: {  	(tm) =	ssettm $0x7FFFFFFF  }
0xc3: {  	_ =	shalt  }
tec
execute0_lowered:
.L_overlay_start_1:
0x0: {  	(tag) =	ssettag $0x1  }
0x1: {  	s9 =	stileid.u32  }
0x2: {  	s0 =	srdreg.scid;
	s7 =	smul.u32 $0x14000, s9  }
0x3: {  	s2 =	rddreg [dreg:$0x0];
	s18 =	smul.u32 $0x50000, s9  }
0x4: {  	s1 =	rddreg [dreg:$0x1];
	s24 =	smul.u32 $0x27100, s9  }
0x5: {  	s3 =	simm.s32 $0x0;
	s0 =	sand.u32 $0x1, s0;
	s25 =	smul.u32 $0xFA0, s9  }
0x6: {  	s28 =	simm.s32 $0x1400;
	s29 =	simm.s32 $0x3;
	s4 =	smul.u32 $0x271000, s0  }
0x7: {  	s30 =	simm.s32 $0x1;
	s31 =	simm.s32 $0x28;
	s5 =	smul.u32 $0xFA00, s0  }
0x8: {  	[smem:$0x7FF] =	sst s3;
	s6 =	smul.u32 $0x140000, s0;
	s0 =	ssub.s32 $0x2, s0  }
0x9: {  	_ =	strace $0x8000004A;
	s19 =	sshrl.u32 s0, $0x1;
	s8 =	sadd.s32 s4, s2  }
0xa: {  	s5 =	sadd.s32 s5, s2;
	s6 =	sadd.s32 s7, s6;
	s4 =	sshrl.u32 s18, $0x2  }
0xb: {  	s0 =	ssub.s32 s0, s19;
	s6 =	sshrl.u32 s6, $0x3;
	s4 =	sadd.s32 s4, s1  }
0xc: {  	s0 =	smax.u32 s0, $0x1;
	s26 =	sadd.s32 s25, s5;
	s25 =	simm.s32 $0x2800  }
0xd: {  	s5 =	simm.s32 $0x0;
	s2 =	sadd.s32 s6, s2;
	[dreg:$0x3] =	wrdreg s0  }
0xe: {  	s20 =	sadd.s32 $0x1400, s4;
	s21 =	sadd.s32 $0x2800, s4;
	s22 =	sadd.s32 $0x3C00, s4  }
0xf: {  	s23 =	sadd.s32 $0x5000, s4;
	s10 =	sadd.s32 $0x6400, s4;
	s11 =	sadd.s32 $0x7800, s4  }
0x10: {  	s12 =	sadd.s32 $0x8C00, s4;
	s13 =	sadd.s32 $0xA000, s4;
	s14 =	sadd.s32 $0xB400, s4  }
0x11: {  	s15 =	sadd.s32 $0xC800, s4;
	s16 =	sadd.s32 $0xDC00, s4;
	[dreg:$0x4] =	wrdreg s20  }
0x12: {  	s17 =	sadd.s32 $0xF000, s4;
	s18 =	sadd.s32 $0x10400, s4;
	[dreg:$0x5] =	wrdreg s21  }
0x13: {  	s19 =	sadd.s32 $0x11800, s4;
	s0 =	sadd.s32 s24, s8;
	[dreg:$0x6] =	wrdreg s22  }
0x14: {  	s24 =	simm.s32 $0x5;
	[dreg:$0x7] =	wrdreg s23;
	s21 =	sadd.s32 $0xA0FC00, s0  }
0x15: {  	s20 =	sadd.s32 $0x12C00, s4;
	s22 =	sadd.s32 $0x9F0810, s26;
	s23 =	sadd.s32 $0x3400, s2  }
0x16: {  	v0 =	vimm.f32 $0.0e+00;
	s26 =	simm.s32 $0x2880;
	s0 =	simm.s32 $0x4;
	s2 =	simm.s32 $0x2  }
.LBB2_1:
0x17: {  	s6 =	simm.s32 $0x70;
	s7 =	simm.s32 $0x3C0  }
.LBB2_2:
0x18: {  	p0 =	sne.s32 s7, $0x4FC0;
	[tilespmem:s6+$0x0] =	vst v0  }
0x19: {  	[tilespmem:s6+$0xFFFFFF90] =	vst v0  }
0x1a: {  	[tilespmem:s6+$0xFFFFFFA0] =	vst v0  }
.Ltmp0:
0x1b: {  	[tilespmem:s6+$0xFFFFFFB0] =	vst v0;
	(pc) =	sbr.rel @p0 .LBB2_2-.Ltmp0, $4  }
0x1c: {  	[tilespmem:s6+$0xFFFFFFC0] =	vst v0  }
0x1d: {  	[tilespmem:s6+$0xFFFFFFD0] =	vst v0  }
0x1e: {  	[tilespmem:s6+$0xFFFFFFE0] =	vst v0  }
0x1f: {  	[tilespmem:s6+$0xFFFFFFF0] =	vst v0;
	s6 =	sshra.s32 s7, $0x2;
	s7 =	sadd.s32 $0x200, s7  }
0x20: {  	[tilespmem:s6+$0x0] =	vst v0  }
0x21: {  	[tilespmem:s6+$0xFFFFFF90] =	vst v0  }
0x22: {  	[tilespmem:s6+$0xFFFFFFA0] =	vst v0  }
0x23: {  	[tilespmem:s6+$0xFFFFFFB0] =	vst v0  }
0x24: {  	[tilespmem:s6+$0xFFFFFFC0] =	vst v0  }
0x25: {  	[tilespmem:s6+$0xFFFFFFD0] =	vst v0  }
0x26: {  	[tilespmem:s6+$0xFFFFFFE0] =	vst v0  }
0x27: {  	[tilespmem:s6+$0xFFFFFFF0] =	vst v0;
	s6 =	simm.s32 $0x0  }
0x28: {  	[spmem:s4] =	stream.linear.scatter [tilespmem:s6], [sflag:$0x5], $0x1400, $0x38;
	[tilespmem:$0x16900] =	vst v63  }
0x29: {  	_ =	swait.ge [sflag:s24], $0x1400  }
0x2a: {  	[sflag:s24] =	ssyncset.done $0x0  }
0x2b: {  	s7 =	rddreg [dreg:$0x4];
	[sflag:s24] =	ssyncadd.s32 $0xFFFFEC00  }
0x2c: {  	[spmem:s7] =	stream.linear.scatter [tilespmem:s6], [sflag:$0x5], $0x1400, $0x38;
	[tilespmem:$0x16900] =	vst v63  }
0x2d: {  	_ =	swait.ge [sflag:s24], $0x1400  }
0x2e: {  	[sflag:s24] =	ssyncset.done $0x0  }
0x2f: {  	s9 =	rddreg [dreg:$0x5];
	[sflag:s24] =	ssyncadd.s32 $0xFFFFEC00  }
0x30: {  	[spmem:s9] =	stream.linear.scatter [tilespmem:s6], [sflag:$0x5], $0x1400, $0x38;
	[tilespmem:$0x16900] =	vst v63  }
0x31: {  	_ =	swait.ge [sflag:s24], $0x1400  }
0x32: {  	[sflag:s24] =	ssyncset.done $0x0  }
0x33: {  	s8 =	rddreg [dreg:$0x6];
	[sflag:s24] =	ssyncadd.s32 $0xFFFFEC00  }
0x34: {  	[spmem:s8] =	stream.linear.scatter [tilespmem:s6], [sflag:$0x5], $0x1400, $0x38;
	[tilespmem:$0x16900] =	vst v63  }
0x35: {  	_ =	swait.ge [sflag:s24], $0x1400  }
0x36: {  	[sflag:s24] =	ssyncset.done $0x0  }
0x37: {  	s9 =	rddreg [dreg:$0x7];
	[sflag:s24] =	ssyncadd.s32 $0xFFFFEC00  }
0x38: {  	[spmem:s9] =	stream.linear.scatter [tilespmem:s6], [sflag:$0x5], $0x1400, $0x38;
	[tilespmem:$0x16900] =	vst v63  }
0x39: {  	_ =	swait.ge [sflag:s24], $0x1400  }
0x3a: {  	[sflag:s24] =	ssyncset.done $0x0  }
0x3b: {  	[sflag:s24] =	ssyncadd.s32 $0xFFFFEC00  }
0x3c: {  	[spmem:s10] =	stream.linear.scatter [tilespmem:s6], [sflag:$0x5], $0x1400, $0x38;
	[tilespmem:$0x16900] =	vst v63  }
0x3d: {  	_ =	swait.ge [sflag:s24], $0x1400  }
0x3e: {  	[sflag:s24] =	ssyncset.done $0x0  }
0x3f: {  	[sflag:s24] =	ssyncadd.s32 $0xFFFFEC00  }
0x40: {  	[spmem:s11] =	stream.linear.scatter [tilespmem:s6], [sflag:$0x5], $0x1400, $0x38;
	[tilespmem:$0x16900] =	vst v63  }
0x41: {  	_ =	swait.ge [sflag:s24], $0x1400  }
0x42: {  	[sflag:s24] =	ssyncset.done $0x0  }
0x43: {  	[sflag:s24] =	ssyncadd.s32 $0xFFFFEC00  }
0x44: {  	[spmem:s12] =	stream.linear.scatter [tilespmem:s6], [sflag:$0x5], $0x1400, $0x38;
	[tilespmem:$0x16900] =	vst v63  }
0x45: {  	_ =	swait.ge [sflag:s24], $0x1400  }
0x46: {  	[sflag:s24] =	ssyncset.done $0x0  }
0x47: {  	[sflag:s24] =	ssyncadd.s32 $0xFFFFEC00  }
0x48: {  	[spmem:s13] =	stream.linear.scatter [tilespmem:s6], [sflag:$0x5], $0x1400, $0x38;
	[tilespmem:$0x16900] =	vst v63  }
0x49: {  	_ =	swait.ge [sflag:s24], $0x1400  }
0x4a: {  	[sflag:s24] =	ssyncset.done $0x0  }
0x4b: {  	[sflag:s24] =	ssyncadd.s32 $0xFFFFEC00  }
0x4c: {  	[spmem:s14] =	stream.linear.scatter [tilespmem:s6], [sflag:$0x5], $0x1400, $0x38;
	[tilespmem:$0x16900] =	vst v63  }
0x4d: {  	_ =	swait.ge [sflag:s24], $0x1400  }
0x4e: {  	[sflag:s24] =	ssyncset.done $0x0  }
0x4f: {  	[sflag:s24] =	ssyncadd.s32 $0xFFFFEC00  }
0x50: {  	[spmem:s15] =	stream.linear.scatter [tilespmem:s6], [sflag:$0x5], $0x1400, $0x38;
	[tilespmem:$0x16900] =	vst v63  }
0x51: {  	_ =	swait.ge [sflag:s24], $0x1400  }
0x52: {  	[sflag:s24] =	ssyncset.done $0x0  }
0x53: {  	[sflag:s24] =	ssyncadd.s32 $0xFFFFEC00  }
0x54: {  	[spmem:s16] =	stream.linear.scatter [tilespmem:s6], [sflag:$0x5], $0x1400, $0x38;
	[tilespmem:$0x16900] =	vst v63  }
0x55: {  	_ =	swait.ge [sflag:s24], $0x1400  }
0x56: {  	[sflag:s24] =	ssyncset.done $0x0  }
0x57: {  	[sflag:s24] =	ssyncadd.s32 $0xFFFFEC00  }
0x58: {  	[spmem:s17] =	stream.linear.scatter [tilespmem:s6], [sflag:$0x5], $0x1400, $0x38;
	[tilespmem:$0x16900] =	vst v63  }
0x59: {  	_ =	swait.ge [sflag:s24], $0x1400  }
0x5a: {  	[sflag:s24] =	ssyncset.done $0x0  }
0x5b: {  	[sflag:s24] =	ssyncadd.s32 $0xFFFFEC00  }
0x5c: {  	[spmem:s18] =	stream.linear.scatter [tilespmem:s6], [sflag:$0x5], $0x1400, $0x38;
	[tilespmem:$0x16900] =	vst v63  }
0x5d: {  	_ =	swait.ge [sflag:s24], $0x1400  }
0x5e: {  	[sflag:s24] =	ssyncset.done $0x0  }
0x5f: {  	[sflag:s24] =	ssyncadd.s32 $0xFFFFEC00  }
0x60: {  	[spmem:s19] =	stream.linear.scatter [tilespmem:s6], [sflag:$0x5], $0x1400, $0x38;
	[tilespmem:$0x16900] =	vst v63  }
0x61: {  	_ =	swait.ge [sflag:s24], $0x1400  }
0x62: {  	[sflag:s24] =	ssyncset.done $0x0  }
0x63: {  	[sflag:s24] =	ssyncadd.s32 $0xFFFFEC00  }
0x64: {  	[spmem:s20] =	stream.linear.scatter [tilespmem:s6], [sflag:$0x5], $0x1400, $0x38;
	[tilespmem:$0x16900] =	vst v63  }
0x65: {  	_ =	swait.ge [sflag:s24], $0x1400  }
0x66: {  	[sflag:s24] =	ssyncset.done $0x0  }
0x67: {  	[sflag:s24] =	ssyncadd.s32 $0xFFFFEC00  }
0x68: {  	s8 =	sadd.s32 $0xFFFFFFF0, s22;
	[bflag:$0x0] =	sbarrier.arrive $0xFFFF  }
0x69: {  	[tilespmem:s25], [sflag:$0x3] =	stream.linear.gather [hbm4b:s8+s3], $0x80, $0x38;
	[tilespmem:$0x16900] =	vst v63  }
0x6a: {  	s9 =	sadd.s32 $0x0, s21  }
0x6b: {  	[tilespmem:s3], [sflag:$0x1] =	stream.linear.gather [hbm4b:s9+s3], $0x1400, $0x38;
	[tilespmem:$0x16900] =	vst v63  }
0x6c: {  	_ = 	snop  }
0x6d: {  	[tilespmem:s26], [sflag:$0x4] =	stream.linear.gather [hbm4b:s22+s3], $0x80, $0x38;
	[tilespmem:$0x16900] =	vst v63  }
0x6e: {  	s6 =	sadd.s32 $0x280, s9  }
0x6f: {  	[tilespmem:s28], [sflag:$0x2] =	stream.linear.gather [hbm4b:s6+s3], $0x1400, $0x38;
	[tilespmem:$0x16900] =	vst v63  }
0x70: {  	_ =	swait.ge [sflag:s29], $0x80  }
0x71: {  	[sflag:s29] =	ssyncset.done $0x0  }
0x72: {  	[sflag:s29] =	ssyncadd.s32 $0xFFFFFF80  }
0x73: {  	_ =	swait.ge [sflag:s30], $0x1400  }
0x74: {  	[sflag:s30] =	ssyncset.done $0x0  }
0x75: {  	[sflag:s30] =	ssyncadd.s32 $0xFFFFEC00  }
0x76: {  	[spmem:s1] =	stream.indirect.scatter.add.f32 [tilespmem:s3], [sflag:$0x5], $0x80, s25, s31, $0xb8;
	[tilespmem:$0x16900] =	vst v63  }
0x77: {  	_ =	swait.ge [sflag:s24], $0x1400  }
0x78: {  	[sflag:s24] =	ssyncset.done $0x0  }
0x79: {  	[sflag:s24] =	ssyncadd.s32 $0xFFFFEC00  }
0x7a: {  	_ =	swait.ge [sflag:s0], $0x80  }
0x7b: {  	[sflag:s0] =	ssyncset.done $0x0  }
0x7c: {  	[sflag:s0] =	ssyncadd.s32 $0xFFFFFF80  }
0x7d: {  	_ =	swait.ge [sflag:s2], $0x1400  }
0x7e: {  	[sflag:s2] =	ssyncset.done $0x0  }
0x7f: {  	[sflag:s2] =	ssyncadd.s32 $0xFFFFEC00  }
0x80: {  	[spmem:s1] =	stream.indirect.scatter.add.f32 [tilespmem:s28], [sflag:$0x5], $0x80, s26, s31, $0xb8;
	[tilespmem:$0x16900] =	vst v63  }
0x81: {  	s7 =	sadd.s32 $0x20, s22;
	_ =	swait.ge [sflag:s24], $0x1400  }
0x82: {  	s8 =	simm.s32 $0xA00;
	s6 =	simm.s32 $0x500;
	[sflag:s24] =	ssyncset.done $0x0  }
.LBB2_4:
0x83: {  	p0 =	sne.s32 s8, $0x26C00;
	s9 =	sadd.s32 $0xFFFFFFF0, s7;
	[sflag:s24] =	ssyncadd.s32 $0xFFFFEC00  }
0x84: {  	[tilespmem:s25], [sflag:$0x3] =	stream.linear.gather [hbm4b:s9+s3], $0x80, $0x38;
	[tilespmem:$0x16900] =	vst v63  }
0x85: {  	s9 =	sadd.s32 s6, s21;
	s6 =	smov.u32 s8;
	s8 =	sadd.s32 $0x500, s8  }
0x86: {  	[tilespmem:s3], [sflag:$0x1] =	stream.linear.gather [hbm4b:s9+s3], $0x1400, $0x38;
	[tilespmem:$0x16900] =	vst v63  }
0x87: {  	_ = 	snop  }
0x88: {  	[tilespmem:s26], [sflag:$0x4] =	stream.linear.gather [hbm4b:s7+s3], $0x80, $0x38;
	[tilespmem:$0x16900] =	vst v63  }
0x89: {  	s9 =	sadd.s32 $0x280, s9  }
0x8a: {  	[tilespmem:s28], [sflag:$0x2] =	stream.linear.gather [hbm4b:s9+s3], $0x1400, $0x38;
	[tilespmem:$0x16900] =	vst v63  }
0x8b: {  	_ =	swait.ge [sflag:s29], $0x80  }
0x8c: {  	[sflag:s29] =	ssyncset.done $0x0  }
0x8d: {  	[sflag:s29] =	ssyncadd.s32 $0xFFFFFF80  }
0x8e: {  	_ =	swait.ge [sflag:s30], $0x1400  }
0x8f: {  	[sflag:s30] =	ssyncset.done $0x0  }
0x90: {  	[sflag:s30] =	ssyncadd.s32 $0xFFFFEC00  }
0x91: {  	[spmem:s1] =	stream.indirect.scatter.add.f32 [tilespmem:s3], [sflag:$0x5], $0x80, s25, s31, $0xb8;
	[tilespmem:$0x16900] =	vst v63  }
0x92: {  	_ =	swait.ge [sflag:s24], $0x1400  }
0x93: {  	[sflag:s24] =	ssyncset.done $0x0  }
0x94: {  	[sflag:s24] =	ssyncadd.s32 $0xFFFFEC00  }
0x95: {  	_ =	swait.ge [sflag:s0], $0x80  }
0x96: {  	[sflag:s0] =	ssyncset.done $0x0  }
0x97: {  	[sflag:s0] =	ssyncadd.s32 $0xFFFFFF80  }
0x98: {  	_ =	swait.ge [sflag:s2], $0x1400  }
.Ltmp1:
0x99: {  	[sflag:s2] =	ssyncset.done $0x0;
	(pc) =	sbr.rel @p0 .LBB2_4-.Ltmp1, $4  }
0x9a: {  	[sflag:s2] =	ssyncadd.s32 $0xFFFFEC00  }
0x9b: {  	[spmem:s1] =	stream.indirect.scatter.add.f32 [tilespmem:s28], [sflag:$0x5], $0x80, s26, s31, $0xb8;
	[tilespmem:$0x16900] =	vst v63  }
0x9c: {  	_ =	swait.ge [sflag:s24], $0x1400  }
0x9d: {  	s7 =	sadd.s32 $0x20, s7;
	[sflag:s24] =	ssyncset.done $0x0  }
0x9e: {  	s8 =	sadd.s32 $0xFFFFFFF0, s7;
	[sflag:s24] =	ssyncadd.s32 $0xFFFFEC00  }
0x9f: {  	[tilespmem:s25], [sflag:$0x3] =	stream.linear.gather [hbm4b:s8+s3], $0x80, $0x38;
	[tilespmem:$0x16900] =	vst v63  }
0xa0: {  	s6 =	sadd.s32 s6, s21  }
0xa1: {  	[tilespmem:s3], [sflag:$0x1] =	stream.linear.gather [hbm4b:s6+s3], $0x1400, $0x38;
	[tilespmem:$0x16900] =	vst v63  }
0xa2: {  	_ = 	snop  }
0xa3: {  	[tilespmem:s26], [sflag:$0x4] =	stream.linear.gather [hbm4b:s7+s3], $0x80, $0x38;
	[tilespmem:$0x16900] =	vst v63  }
0xa4: {  	s6 =	sadd.s32 $0x280, s6  }
0xa5: {  	[tilespmem:s28], [sflag:$0x2] =	stream.linear.gather [hbm4b:s6+s3], $0x1400, $0x38;
	[tilespmem:$0x16900] =	vst v63  }
0xa6: {  	_ =	swait.ge [sflag:s29], $0x80  }
0xa7: {  	[sflag:s29] =	ssyncset.done $0x0  }
0xa8: {  	[sflag:s29] =	ssyncadd.s32 $0xFFFFFF80  }
0xa9: {  	_ =	swait.ge [sflag:s30], $0x1400  }
0xaa: {  	[sflag:s30] =	ssyncset.done $0x0  }
0xab: {  	[sflag:s30] =	ssyncadd.s32 $0xFFFFEC00  }
0xac: {  	[spmem:s1] =	stream.indirect.scatter.add.f32 [tilespmem:s3], [sflag:$0x5], $0x80, s25, s31, $0xb8;
	[tilespmem:$0x16900] =	vst v63  }
0xad: {  	_ =	swait.ge [sflag:s24], $0x1400  }
0xae: {  	[sflag:s24] =	ssyncset.done $0x0  }
0xaf: {  	[sflag:s24] =	ssyncadd.s32 $0xFFFFEC00  }
0xb0: {  	_ =	swait.ge [sflag:s0], $0x80  }
0xb1: {  	[sflag:s0] =	ssyncset.done $0x0  }
0xb2: {  	[sflag:s0] =	ssyncadd.s32 $0xFFFFFF80  }
0xb3: {  	_ =	swait.ge [sflag:s2], $0x1400  }
0xb4: {  	[sflag:s2] =	ssyncset.done $0x0  }
0xb5: {  	[sflag:s2] =	ssyncadd.s32 $0xFFFFEC00  }
0xb6: {  	[spmem:s1] =	stream.indirect.scatter.add.f32 [tilespmem:s28], [sflag:$0x5], $0x80, s26, s31, $0xb8;
	[tilespmem:$0x16900] =	vst v63  }
0xb7: {  	_ =	swait.ge [sflag:s24], $0x1400  }
0xb8: {  	[sflag:s24] =	ssyncset.done $0x0  }
0xb9: {  	[sflag:s24] =	ssyncadd.s32 $0xFFFFEC00  }
0xba: {  	[bflag:$0x0] =	sbarrier.arrive $0xFFFF  }
0xbb: {  	[tilespmem:s3], [sflag:$0x5] =	stream.linear.gather [spmem:s4], $0x1400, $0x38;
	[tilespmem:$0x16900] =	vst v63  }
0xbc: {  	_ =	swait.ge [sflag:s24], $0x1400  }
0xbd: {  	[sflag:s24] =	ssyncset.done $0x0  }
0xbe: {  	s9 =	sadd.s32 $0x0, s23;
	[sflag:s24] =	ssyncadd.s32 $0xFFFFEC00  }
0xbf: {  	[hbm4b:s9+s3] =	stream.linear.scatter [tilespmem:s3], [sflag:$0x5], $0x1400, $0x38;
	[tilespmem:$0x16900] =	vst v63  }
0xc0: {  	_ =	swait.ge [sflag:s24], $0x1400  }
0xc1: {  	s7 =	smov.u32 s4;
	s6 =	simm.s32 $0x280;
	[sflag:s24] =	ssyncset.done $0x0  }
.LBB2_6:
0xc2: {  	p0 =	sne.s32 s6, $0x2580;
	[sflag:s24] =	ssyncadd.s32 $0xFFFFEC00;
	s7 =	sadd.s32 $0x1400, s7  }
0xc3: {  	[tilespmem:s3], [sflag:$0x5] =	stream.linear.gather [spmem:s7], $0x1400, $0x38;
	[tilespmem:$0x16900] =	vst v63  }
0xc4: {  	s8 =	smov.u32 s6;
	s6 =	sadd.s32 $0x280, s6;
	_ =	swait.ge [sflag:s24], $0x1400  }
.Ltmp2:
0xc5: {  	[sflag:s24] =	ssyncset.done $0x0;
	(pc) =	sbr.rel @p0 .LBB2_6-.Ltmp2, $4  }
0xc6: {  	s8 =	sadd.s32 s8, s23;
	[sflag:s24] =	ssyncadd.s32 $0xFFFFEC00  }
0xc7: {  	[hbm4b:s8+s3] =	stream.linear.scatter [tilespmem:s3], [sflag:$0x5], $0x1400, $0x38;
	[tilespmem:$0x16900] =	vst v63  }
0xc8: {  	_ =	swait.ge [sflag:s24], $0x1400  }
0xc9: {  	[sflag:s24] =	ssyncset.done $0x0  }
0xca: {  	s5 =	sadd.s32 $0x1, s5;
	s6 =	rddreg [dreg:$0x3]  }
0xcb: {  	p0 =	sne.s32 s5, s6  }
.Ltmp3:
0xcc: {  	_ = 	snop;
	(pc) =	sbr.rel @p0 .LBB2_1-.Ltmp3, $2  }
0xcd: {  	_ =	sdelay $0x2  }
0xce: {  	[sflag:s24] =	ssyncadd.s32 $0xFFFFEC00  }
0xcf: {  	_ =	sfence.sel $0x180000  }
0xd0: {  	[bflag:$0x0] =	sbarrier.arrive $0xFFFF  }
0xd1: {  	_ =	strace $0x9000004A  }
0xd2: {  	s0 =	stileid.u32;
	[bflag:$0x2] =	sbarrier.arrive $0xFFFF  }
0xd3: {  	p0 =	sne.s32 s0, $0x0;
	s0 =	rddreg [dreg:$0x2]  }
0xd4: {  	s0 =	sadd.s32 @!p0 $0x100000, s0  }
0xd5: {  	[sflag:s0] =	ssyncadd.tile.s32 @!p0 $0x1;
	_ =	shalt  }
.Lfunc_end2:
_tile_overlayer_lowered:
.L_overlay_start_2:
0xd6: {  	(tag) =	ssettag $0x2  }
0xd7: {  	s0 =	rddreg [dreg:$0x0];
	s2 =	stileid.u32  }
0xd8: {  	s1 =	rddreg [dreg:$0x1];
	p0 =	sne.s32 s2, $0x0  }
0xd9: {  	s3 =	rddreg [dreg:$0x2];
	[bflag:$0x3] =	sbarrier.arrive $0xFFFF;
	s2 =	simm.s32 @!p0 $0x1C05  }
0xda: {  	[timem:s3], [sflag:s2] =	dma.local @!p0 [hbm:s0], s1  }
0xdb: {  	s0 =	simm.s32 @!p0 $0x5  }
0xdc: {  	_ =	swait.ge @!p0 [sflag:s0], s1  }
0xdd: {  	s1 =	ssub.s32 @!p0 $0x0, s1;
	[sflag:s0] =	ssyncset.done @!p0 $0x0  }
0xde: {  	[sflag:s0] =	ssyncadd.s32 @!p0 s1  }
0xdf: {  	[bflag:$0x3] =	sbarrier.arrive $0xFFFF  }
0xe0: {  	_ =	shalt  }

// kernel: kernel.7.cloned.1.call-start
scs
__scs_entry_jumppad:
0x0: {  	(pc) =	sbr.rel $0x88, $3  }
0x1: {  	(tag) =	ssettag $0x0;
	lr =	simm.s32 $0x1  }
0x2: {  	[smem:$0x3F93] =	sst lr;
	_ =	strace $0xD0000000  }
0x3: {  	_ = 	snop  }
0x4: {  	_ = 	snop  }
0x5: {  	_ = 	snop  }
0x6: {  	_ = 	snop  }
0x7: {  	_ = 	snop  }
__scs_overlays_trampoline_lowered:
0x8: {  	[smem:$0x3FA2] =	sst s0  }
0x9: {  	[smem:$0x3FA3] =	sst s1  }
0xa: {  	[smem:$0x3FA4] =	sst s2  }
0xb: {  	[smem:$0x3FA5] =	sst s3  }
0xc: {  	[smem:$0x3FA6] =	sst s4  }
0xd: {  	[smem:$0x3FA7] =	sst s5  }
0xe: {  	[smem:$0x3FA8] =	sst s6  }
0xf: {  	[smem:$0x3FA9] =	sst s7  }
0x10: {  	[smem:$0x3FAA] =	sst s8  }
0x11: {  	[smem:$0x3FAB] =	sst s9;
	s0 =	simm.s32 @!p0 $0x0  }
0x12: {  	s1 =	sld [smem:$0x3F91];
	s0 =	simm.s32 @p0 $0x1  }
0x13: {  	[smem:$0x3FAC] =	sst s0;
	s0 =	simm.s32 @!p1 $0x0  }
0x14: {  	s2 =	sld [smem:$0x3F90];
	s0 =	simm.s32 @p1 $0x1  }
0x15: {  	[smem:$0x3FAD] =	sst s0;
	s0 =	simm.s32 @!p2 $0x0  }
0x16: {  	s3 =	sld [smem:$0x3FDB];
	s0 =	simm.s32 @p2 $0x1  }
0x17: {  	s4 =	simm.s32 $0x1BF5;
	[smem:$0x3FAF] =	sst s0  }
0x18: {  	s0 =	sld [smem:$0x3F92];
	_ =	swait.ge [sflag:s4], $0x0  }
0x19: {  	s7 =	sld [smem:$0x3F93]  }
0x1a: {  	s8 =	sadd.s32 $0xFFFFE003, lr  }
0x1b: {  	s9 =	sadd.s32 $0xFFFFFEF7, lr;
	s5 =	simm.s32 $0xFFFFFFFF;
	p2 =	slt.u32 s8, $0xFFFFF086  }
0x1c: {  	p1 =	slt.u32 s9, $0xF7A;
	s5 =	simm.s32 @!p2 $0x0  }
0x1d: {  	s5 =	simm.s32 @p1 $0x1;
	p0 =	seq.s32 s7, s2  }
0x1e: {  	s7 =	smul.u32 @!p0 $0xF7A, s2;
	p2 =	seq.s32 @!p0 s5, $0x0  }
0x1f: {  	s9 =	smul.u32 $0xF7A, s1;
	s8 =	simm.s32 @!p0 $0x1BF5;
	p2 =	por !p2, p0  }
0x20: {  	[sflag:s8] =	ssyncset.s32 @!p0 $0xFFFFF086;
	s6 =	sadd.s32 @!p0 s3, s7;
	s7 =	simm.s32 @!p0 $0x108  }
0x21: {  	s3 =	sadd.s32 s3, s9;
	s6 =	sadd.s32 @!p0 $0x88, s6;
	s7 =	simm.s32 @p2 $0x1082  }
0x22: {  	[simem:s7], [sflag:s8] =	dma.local @!p0 [hbm:s6], $0xF7A  }
0x23: {  	s9 =	sor.u32 $0xD0000000, s2;
	s6 =	simm.s32 $0x108;
	_ =	swait.ge @!p0 [sflag:s8], $0x0  }
0x24: {  	s3 =	sadd.s32 $0x88, s3;
	s6 =	simm.s32 @!p1 $0x1082;
	[sflag:s4] =	ssyncset.s32 $0xFFFFF086  }
0x25: {  	[simem:s6], [sflag:s4] =	dma.local [hbm:s3], $0xF7A  }
0x26: {  	[smem:$0x3F93] =	sst s1;
	(tag) =	ssettag s2;
	_ =	strace s9  }
0x27: {  	s1 =	sld [smem:$0x3FA3]  }
0x28: {  	s2 =	sld [smem:$0x3FA4]  }
0x29: {  	s4 =	sld [smem:$0x3FA6]  }
0x2a: {  	p0 =	seq.s32 s5, $0x0;
	s5 =	sld [smem:$0x3FA7]  }
0x2b: {  	s6 =	sld [smem:$0x3FA8]  }
0x2c: {  	s7 =	sld [smem:$0x3FA9]  }
0x2d: {  	s3 =	simm.s32 $0x108;
	s8 =	sld [smem:$0x3FAA]  }
0x2e: {  	s3 =	simm.s32 @!p0 $0x1082;
	s9 =	sld [smem:$0x3FAB]  }
0x2f: {  	lr =	sadd.s32 s0, s3;
	s0 =	sld [smem:$0x3FA2]  }
0x30: {  	s3 =	sld [smem:$0x3FA5]  }
0x31: {  	[smem:$0x3FAE] =	sst s10  }
0x32: {  	s10 =	sld [smem:$0x3FAC];
	_ =	sdelay $0x3  }
0x33: {  	p0 =	seq.s32 s10, $0x1;
	s10 =	sld [smem:$0x3FAE];
	_ =	sdelay $0x3  }
0x34: {  	[smem:$0x3FAE] =	sst s10  }
0x35: {  	s10 =	sld [smem:$0x3FAD];
	_ =	sdelay $0x3  }
0x36: {  	p1 =	seq.s32 s10, $0x1;
	s10 =	sld [smem:$0x3FAE];
	_ =	sdelay $0x3  }
0x37: {  	[smem:$0x3FAE] =	sst s10  }
0x38: {  	s10 =	sld [smem:$0x3FAF]  }
0x39: {  	_ = 	snop;
	(pc) =	sbr.ind lr, $3  }
0x3a: {  	_ = 	snop  }
0x3b: {  	_ = 	snop  }
0x3c: {  	p2 =	seq.s32 s10, $0x1;
	s10 =	sld [smem:$0x3FAE]  }
0x3d: {  	_ =	shalt  }
0x3e: {  	_ =	shalt  }
0x3f: {  	_ =	shalt  }
0x40: {  	_ =	shalt  }
0x41: {  	_ =	shalt  }
0x42: {  	_ =	shalt  }
0x43: {  	_ =	shalt  }
0x44: {  	_ =	shalt  }
0x45: {  	_ =	shalt  }
0x46: {  	_ =	shalt  }
0x47: {  	_ =	shalt  }
0x48: {  	_ =	shalt  }
0x49: {  	_ =	shalt  }
0x4a: {  	_ =	shalt  }
0x4b: {  	_ =	shalt  }
0x4c: {  	_ =	shalt  }
0x4d: {  	_ =	shalt  }
0x4e: {  	_ =	shalt  }
0x4f: {  	_ =	shalt  }
0x50: {  	_ =	shalt  }
0x51: {  	_ =	shalt  }
0x52: {  	_ =	shalt  }
0x53: {  	_ =	shalt  }
0x54: {  	_ =	shalt  }
0x55: {  	_ =	shalt  }
0x56: {  	_ =	shalt  }
0x57: {  	_ =	shalt  }
0x58: {  	_ =	shalt  }
0x59: {  	_ =	shalt  }
0x5a: {  	_ =	shalt  }
0x5b: {  	_ =	shalt  }
0x5c: {  	_ =	shalt  }
0x5d: {  	_ =	shalt  }
0x5e: {  	_ =	shalt  }
0x5f: {  	_ =	shalt  }
0x60: {  	_ =	shalt  }
0x61: {  	_ =	shalt  }
0x62: {  	_ =	shalt  }
0x63: {  	_ =	shalt  }
0x64: {  	_ =	shalt  }
0x65: {  	_ =	shalt  }
0x66: {  	_ =	shalt  }
0x67: {  	_ =	shalt  }
0x68: {  	_ =	shalt  }
0x69: {  	_ =	shalt  }
0x6a: {  	_ =	shalt  }
0x6b: {  	_ =	shalt  }
0x6c: {  	_ =	shalt  }
0x6d: {  	_ =	shalt  }
0x6e: {  	_ =	shalt  }
0x6f: {  	_ =	shalt  }
0x70: {  	_ =	shalt  }
0x71: {  	_ =	shalt  }
0x72: {  	_ =	shalt  }
0x73: {  	_ =	shalt  }
0x74: {  	_ =	shalt  }
0x75: {  	_ =	shalt  }
0x76: {  	_ =	shalt  }
0x77: {  	_ =	shalt  }
0x78: {  	_ =	shalt  }
0x79: {  	_ =	shalt  }
0x7a: {  	_ =	shalt  }
0x7b: {  	_ =	shalt  }
0x7c: {  	_ =	shalt  }
0x7d: {  	_ =	shalt  }
0x7e: {  	_ =	shalt  }
0x7f: {  	_ =	shalt  }
0x80: {  	_ =	shalt  }
0x81: {  	_ =	shalt  }
0x82: {  	_ =	shalt  }
0x83: {  	_ =	shalt  }
0x84: {  	_ =	shalt  }
0x85: {  	_ =	shalt  }
0x86: {  	_ =	shalt  }
0x87: {  	_ =	shalt  }
.Lfunc_end0:
.L_simem_size_0:
called_computation_lowered:
.L_overlay_start_0:
0x88: {  	s2 =	sld [smem:$0x3FD9]  }
0x89: {  	s3 =	sld [smem:$0x3FFE];
	_ =	sdelay $0x1  }
0x8a: {  	s1 =	srdreg.scid  }
0x8b: {  	s0 =	sand.u32 $0x1, s1  }
0x8c: {  	s14 =	sshll.u32 s0, $0xA;
	s2 =	sadd.s32 s3, s2  }
0x8d: {  	s2 =	sadd.s32 s2, s14  }
0x8e: {  	[smem:$0x3FBA] =	sst s2  }
0x8f: {  	_ = 	snop  }
0x90: {  	s2 =	sld [smem:$0x3FD0];
	_ =	sdelay $0x2  }
0x91: {  	s15 =	simm.s32 $0xA;
	s4 =	simm.s32 $0x10  }
0x92: {  	[smem:s4], [sflag:s15] =	dma.local [hbm:s2], $0x1  }
0x93: {  	_ =	swait.eq [sflag:s15], $0x1  }
0x94: {  	[sflag:s15] =	ssyncset.done $0x0  }
0x95: {  	s16 =	sld [smem:$0x10];
	[sflag:s15] =	ssyncadd.s32 $0xFFFFFFFF  }
0x96: {  	s17 =	sld [smem:$0x11];
	(tm) =	ssettm $0x1  }
0x97: {  	s18 =	sld [smem:$0x3FFB];
	_ =	sdelay $0x3  }
0x98: {  	_ =	strace s18  }
0x99: {  	s4 =	sld [smem:$0x3FFC];
	_ =	sdelay $0x3  }
0x9a: {  	_ =	strace s4  }
0x9b: {  	s4 =	sld [smem:$0x3FFD];
	_ =	sdelay $0x3  }
0x9c: {  	_ =	strace s4  }
0x9d: {  	_ =	strace $0x8FFFFFFF  }
0x9e: {  	s19 =	sld [smem:$0x3FDB];
	_ =	sdelay $0x1  }
0x9f: {  	s5 =	simm.s32 $_scs_section_size  }
0xa0: {  	s6 =	simm.s32 $_size__tile_overlayer_lowered;
	s7 =	simm.s32 $_tile_overlayer_lowered  }
0xa1: {  	s22 =	simm.s32 $0x1BFF;
	s21 =	sshll.u32 s7, $0x1;
	s4 =	sadd.s32 s5, s19  }
0xa2: {  	s8 =	simm.s32 $0x0;
	s20 =	sshll.u32 s6, $0x1;
	s6 =	sadd.s32 s21, s4  }
0xa3: {  	[timem:s8], [sflag:s22] =	dma.local [hbm:s6], s20  }
0xa4: {  	_ =	swait.ge [sflag:s22], s20  }
0xa5: {  	s5 =	ssub.s32 $0x0, s20;
	[sflag:s22] =	ssyncset.done $0x0  }
0xa6: {  	[sflag:s22] =	ssyncadd.s32 s5;
	_ =	sdelay $0x1  }
0xa7: {  	s23 =	simm.s32 $0x1B8B  }
0xa8: {  	_ =	swait.ge [sflag:s23], $0x1  }
0xa9: {  	[sflag:s23] =	ssyncset.done $0x0  }
0xaa: {  	s25 =	simm.s32 $0x1B8E;
	s24 =	sld [smem:$0x3FFE];
	[sflag:s23] =	ssyncadd.s32 $0xFFFFFFFF  }
0xab: {  	s26 =	simm.s32 $execute0_lowered;
	[smem:$0x3FD2] =	sst s25  }
0xac: {  	s6 =	sshll.u32 s26, $0x1;
	_ =	strace $0x80000046;
	[dreg:$0x1] =	wrdreg $0xFFFFFFFF  }
0xad: {  	s28 =	simm.s32 $_size_execute0_lowered;
	s4 =	sadd.s32 s4, s6;
	[dreg:$0x0] =	wrdreg $0x0  }
0xae: {  	s6 =	sshll.u32 s28, $0x1;
	[dreg:$0x2] =	wrdreg s4  }
0xaf: {  	[dreg:$0x3] =	wrdreg s6  }
0xb0: {  	[dreg:$0x4] =	wrdreg $0xC0  }
0xb1: {  	_ =	task [dreg:s8], $0x5FFFF  }
0xb2: {  	[dreg:$0x1] =	wrdreg $0xFFFFFFFF  }
0xb3: {  	[dreg:$0x0] =	wrdreg $0x60  }
0xb4: {  	[dreg:$0x2] =	wrdreg s16  }
0xb5: {  	[dreg:$0x3] =	wrdreg s17  }
0xb6: {  	[dreg:$0x4] =	wrdreg s24  }
0xb7: {  	[dreg:$0x5] =	wrdreg $0x9  }
0xb8: {  	_ =	task.clear_ibuf [dreg:s8], $0x6FFFF;
	_ =	strace $0x90000046  }
0xb9: {  	s29 =	simm.s32 $0x9;
	_ =	strace $0x80000048  }
0xba: {  	_ =	swait.ge [sflag:s29], $0x1  }
0xbb: {  	[sflag:s29] =	ssyncadd.s32 $0xFFFFFFFF  }
0xbc: {  	_ =	strace $0x90000048  }
0xbd: {  	_ =	sfence  }
0xbe: {  	s30 =	sld [smem:$0x0];
	_ =	sdelay $0x2  }
0xbf: {  	s31 =	sshll.u32 s1, $0xD;
	s1 =	sshrl.u32 s1, $0x2  }
0xc0: {  	s3 =	sand.u32 $0x4000, s31;
	s1 =	sadd.s32 s1, s30  }
0xc1: {  	s0 =	sor.u32 s3, s0;
	s1 =	sshll.u32 s1, $0x11  }
0xc2: {  	s0 =	sor.u32 s1, s0  }
0xc3: {  	s0 =	sadd.s32 $0x8F2B, s0  }
0xc4: {  	[sflag:s0] =	ssyncadd.remote.s32 $0x1  }
0xc5: {  	_ =	sfence.sel $0xFFFF  }
0xc6: {  	[dreg:$0x0] =	wrdreg $0xFFFFFFFF;
	(pc) =	sbr.abs _section_cstart, $3  }
0xc7: {  	[dreg:$0x1] =	wrdreg $0xFFFFFFFF  }
0xc8: {  	_ =	task.clear_ibuf [dreg:s8], $0x2FFFF;
	_ =	strace $0x9FFFFFFF  }
0xc9: {  	(tm) =	ssettm $0x7FFFFFFF  }
tec
execute0_lowered:
.L_overlay_start_1:
0x0: {  	(tag) =	ssettag $0x1  }
0x1: {  	s1 =	rddreg [dreg:$0x0]  }
0x2: {  	s2 =	rddreg [dreg:$0x1]  }
0x3: {  	s0 =	rddreg [dreg:$0x2];
	s3 =	srdreg.scid  }
0x4: {  	s4 =	simm.s32 $0x0;
	s9 =	stileid.u32;
	s10 =	simm.s32 $0x80  }
0x5: {  	s11 =	simm.s32 $0x1;
	s12 =	simm.s32 $0x28;
	s13 =	simm.s32 $0x100  }
0x6: {  	s14 =	simm.s32 $0x1500;
	s15 =	simm.s32 $0x2;
	s16 =	simm.s32 $0x2900  }
0x7: {  	s17 =	simm.s32 $0xA8;
	s18 =	simm.s32 $0x3D00;
	s19 =	simm.s32 $0x5100  }
0x8: {  	s20 =	simm.s32 $0x3;
	s21 =	simm.s32 $0x4;
	s28 =	simm.s32 $0xA  }
0x9: {  	s29 =	simm.s32 $0xB;
	s3 =	sand.u32 $0x1, s3;
	s24 =	smul.u32 $0x27100, s9  }
0xa: {  	s30 =	simm.s32 $0x0;
	[smem:$0x7FF] =	sst s4;
	s5 =	smul.u32 $0x7D00, s3  }
0xb: {  	s6 =	sshll.u32 s3, $0x4;
	s7 =	smul.u32 $0x271000, s3;
	_ =	strace $0x80000047  }
0xc: {  	s3 =	ssub.s32 $0x2, s3;
	s6 =	sor.u32 s9, s6;
	s9 =	smul.u32 $0x7D0, s9  }
0xd: {  	s25 =	sshrl.u32 s3, $0x1;
	s8 =	sadd.s32 s5, s0;
	s22 =	smul.u32 $0x500, s6  }
0xe: {  	s23 =	sadd.s32 s7, s0;
	s3 =	ssub.s32 s3, s25;
	s25 =	simm.s32 $0x8  }
0xf: {  	s7 =	sadd.s32 s24, s23;
	s6 =	smax.u32 s3, $0x1;
	s26 =	sadd.s32 s9, s8  }
0x10: {  	s23 =	simm.s32 $0x6;
	s24 =	simm.s32 $0x7;
	s0 =	sadd.s32 s22, s0  }
0x11: {  	s31 =	sadd.s32 $0x22800, s7;
	s3 =	sadd.s32 $0x12E00, s26;
	s9 =	sadd.s32 $0x504800, s7  }
0x12: {  	s22 =	simm.s32 $0x5;
	s0 =	sadd.s32 $0x9E6800, s0;
	[dreg:$0x4] =	wrdreg s31  }
0x13: {  	v0 =	vimm.f32 $0.0e+00;
	v1 =	vimm.f32 $1.000000000e+00;
	[dreg:$0x5] =	wrdreg s0;
	s0 =	sadd.s32 $0x3400, s26;
	s26 =	simm.s32 $0x9  }
.LBB2_1:
0x14: {  	s7 =	simm.s32 $0x0  }
.LBB2_2:
0x15: {  	p0 =	sne.s32 s7, $0x9FC0  }
.Ltmp0:
0x16: {  	_ = 	snop;
	(pc) =	sbr.rel @p0 .LBB2_2-.Ltmp0, $3  }
0x17: {  	_ =	sdelay $0x1  }
0x18: {  	s8 =	sshra.s32 s7, $0x2  }
0x19: {  	s7 =	sadd.s32 $0x40, s7;
	[tilespmem:s8+$0x5100] =	vst v0  }
0x1a: {  	s31 =	simm.s32 $0x0;
	s8 =	smov.u32 s0;
	s7 =	smov.u32 s3  }
.LBB2_4:
0x1b: {  	[tilespmem:s4], [sflag:$0x1] =	stream.linear.gather [hbm4b:s8+s4], $0x80, $0x38;
	[tilespmem:$0x7900] =	vst v63  }
0x1c: {  	_ = 	snop  }
0x1d: {  	[tilespmem:s10], [sflag:$0x2] =	stream.linear.gather [hbm4b:s7+s4], $0x80, $0x38;
	[tilespmem:$0x7900] =	vst v63  }
0x1e: {  	_ =	swait.ge [sflag:s11], $0x80  }
0x1f: {  	[sflag:s11] =	ssyncset.done $0x0  }
0x20: {  	[sflag:s11] =	ssyncadd.s32 $0xFFFFFF80  }
0x21: {  	[tilespmem:s13], [sflag:$0x3] =	stream.indirect.gather [hbm4b:s1+s12], $0x80, s4, s12, $0xb8;
	[tilespmem:$0x7900] =	vst v63  }
0x22: {  	_ = 	snop  }
0x23: {  	[tilespmem:s14], [sflag:$0x4] =	stream.indirect.gather [hbm4b:s1+s12], $0x80, s12, s12, $0xb8;
	[tilespmem:$0x7900] =	vst v63  }
0x24: {  	_ =	swait.ge [sflag:s15], $0x80  }
0x25: {  	[sflag:s15] =	ssyncset.done $0x0  }
0x26: {  	[sflag:s15] =	ssyncadd.s32 $0xFFFFFF80  }
0x27: {  	[tilespmem:s16], [sflag:$0x5] =	stream.indirect.gather [hbm4b:s2+s12], $0x80, s10, s12, $0xb8;
	[tilespmem:$0x7900] =	vst v63  }
0x28: {  	_ = 	snop  }
0x29: {  	[tilespmem:s18], [sflag:$0x6] =	stream.indirect.gather [hbm4b:s2+s12], $0x80, s17, s12, $0xb8;
	[tilespmem:$0x7900] =	vst v63  }
0x2a: {  	v2 =	vld [tilespmem:$0x80];
	_ =	sdelay $0x7  }
0x2b: {  	[tilespmem:v2+s19+$0x0] =	vst.idx.add.f32.msk $0xffff, v1  }
0x2c: {  	v2 =	vld [tilespmem:$0x90];
	_ =	sdelay $0x7  }
0x2d: {  	[tilespmem:v2+s19+$0x0] =	vst.idx.add.f32.msk $0xffff, v1  }
0x2e: {  	v2 =	vld [tilespmem:$0xA0];
	_ =	sdelay $0x7  }
0x2f: {  	[tilespmem:v2+s19+$0x0] =	vst.idx.add.f32.msk $0xffff, v1  }
0x30: {  	v2 =	vld [tilespmem:$0xB0];
	_ =	sdelay $0x7  }
0x31: {  	[tilespmem:v2+s19+$0x0] =	vst.idx.add.f32.msk $0xffff, v1  }
0x32: {  	v2 =	vld [tilespmem:$0xC0];
	_ =	sdelay $0x7  }
0x33: {  	[tilespmem:v2+s19+$0x0] =	vst.idx.add.f32.msk $0xffff, v1  }
0x34: {  	_ =	swait.ge [sflag:s20], $0x1400  }
0x35: {  	s5 =	rddreg [dreg:$0x4];
	[sflag:s20] =	ssyncset.done $0x0  }
0x36: {  	[sflag:s20] =	ssyncadd.s32 $0xFFFFEC00;
	s5 =	sadd.s32 s31, s5  }
0x37: {  	[hbm4b:s5+s4] =	stream.linear.scatter [tilespmem:s13], [sflag:$0x7], $0x1400, $0x38;
	[tilespmem:$0x7900] =	vst v63  }
0x38: {  	_ =	swait.ge [sflag:s21], $0x1400  }
0x39: {  	[sflag:s21] =	ssyncset.done $0x0  }
0x3a: {  	s5 =	sadd.s32 $0x280, s5;
	[sflag:s21] =	ssyncadd.s32 $0xFFFFEC00  }
0x3b: {  	[hbm4b:s5+s4] =	stream.linear.scatter [tilespmem:s14], [sflag:$0x8], $0x1400, $0x38;
	[tilespmem:$0x7900] =	vst v63  }
0x3c: {  	_ =	swait.ge [sflag:s22], $0x1400  }
0x3d: {  	[sflag:s22] =	ssyncset.done $0x0  }
0x3e: {  	s5 =	sadd.s32 s31, s9;
	[sflag:s22] =	ssyncadd.s32 $0xFFFFEC00  }
0x3f: {  	[hbm4b:s5+s4] =	stream.linear.scatter [tilespmem:s16], [sflag:$0x9], $0x1400, $0x38;
	[tilespmem:$0x7900] =	vst v63  }
0x40: {  	_ =	swait.ge [sflag:s23], $0x1400  }
0x41: {  	[sflag:s23] =	ssyncset.done $0x0  }
0x42: {  	s5 =	sadd.s32 $0x280, s5;
	[sflag:s23] =	ssyncadd.s32 $0xFFFFEC00  }
0x43: {  	[hbm4b:s5+s4] =	stream.linear.scatter [tilespmem:s18], [sflag:$0xA], $0x1400, $0x38;
	[tilespmem:$0x7900] =	vst v63  }
0x44: {  	_ =	swait.ge [sflag:s24], $0x1400  }
0x45: {  	[sflag:s24] =	ssyncset.done $0x0  }
0x46: {  	[sflag:s24] =	ssyncadd.s32 $0xFFFFEC00  }
0x47: {  	_ =	swait.ge [sflag:s25], $0x1400  }
0x48: {  	[sflag:s25] =	ssyncset.done $0x0  }
0x49: {  	[sflag:s25] =	ssyncadd.s32 $0xFFFFEC00  }
0x4a: {  	p0 =	sne.s32 s31, $0x26C00;
	_ =	swait.ge [sflag:s26], $0x1400  }
.Ltmp1:
0x4b: {  	[sflag:s26] =	ssyncset.done $0x0;
	(pc) =	sbr.rel @p0 .LBB2_4-.Ltmp1, $4  }
0x4c: {  	[sflag:s26] =	ssyncadd.s32 $0xFFFFEC00  }
0x4d: {  	_ =	swait.ge [sflag:s28], $0x1400  }
0x4e: {  	s8 =	sadd.s32 $0x10, s8;
	[sflag:s28] =	ssyncset.done $0x0  }
0x4f: {  	s7 =	sadd.s32 $0x10, s7;
	s31 =	sadd.s32 $0x500, s31;
	[sflag:s28] =	ssyncadd.s32 $0xFFFFEC00  }
0x50: {  	s30 =	sadd.s32 $0x1, s30  }
0x51: {  	p0 =	sne.s32 s30, s6  }
.Ltmp2:
0x52: {  	s5 =	rddreg [dreg:$0x5];
	(pc) =	sbr.rel @p0 .LBB2_1-.Ltmp2, $4  }
0x53: {  	[hbm4b:s5+s4] =	stream.linear.scatter [tilespmem:s19], [sflag:$0xB], $0x2800, $0x38;
	[tilespmem:$0x7900] =	vst v63  }
0x54: {  	_ =	swait.ge [sflag:s29], $0x2800  }
0x55: {  	[sflag:s29] =	ssyncset.done $0x0  }
0x56: {  	[sflag:s29] =	ssyncadd.s32 $0xFFFFD800  }
0x57: {  	_ =	sfence.sel $0x180000  }
0x58: {  	[bflag:$0x0] =	sbarrier.arrive $0xFFFF  }
0x59: {  	_ =	strace $0x90000047  }
0x5a: {  	s0 =	stileid.u32;
	[bflag:$0x2] =	sbarrier.arrive $0xFFFF  }
0x5b: {  	p0 =	sne.s32 s0, $0x0;
	s0 =	rddreg [dreg:$0x3]  }
0x5c: {  	s0 =	sadd.s32 @!p0 $0x100000, s0  }
0x5d: {  	[sflag:s0] =	ssyncadd.tile.s32 @!p0 $0x1;
	_ =	shalt  }
.Lfunc_end2:
_tile_overlayer_lowered:
.L_overlay_start_2:
0x5e: {  	(tag) =	ssettag $0x2  }
0x5f: {  	s0 =	rddreg [dreg:$0x0];
	s2 =	stileid.u32  }
0x60: {  	s1 =	rddreg [dreg:$0x1];
	p0 =	sne.s32 s2, $0x0  }
0x61: {  	s3 =	rddreg [dreg:$0x2];
	[bflag:$0x3] =	sbarrier.arrive $0xFFFF;
	s2 =	simm.s32 @!p0 $0x1C0B  }
0x62: {  	[timem:s3], [sflag:s2] =	dma.local @!p0 [hbm:s0], s1  }
0x63: {  	s0 =	simm.s32 @!p0 $0xB  }
0x64: {  	_ =	swait.ge @!p0 [sflag:s0], s1  }
0x65: {  	s1 =	ssub.s32 @!p0 $0x0, s1;
	[sflag:s0] =	ssyncset.done @!p0 $0x0  }
0x66: {  	[sflag:s0] =	ssyncadd.s32 @!p0 s1  }
0x67: {  	[bflag:$0x3] =	sbarrier.arrive $0xFFFF  }
0x68: {  	_ =	shalt  }

</sc_bundles>
